<compile_context>
chip_gen: v7x
topology: tpu7x:2x2x1
jax: 0.10.2.dev20260603
libtpu: 0.0.44.dev20260713+nightly
codegen_flags: <defaults>
</compile_context>

<pallas_src>
import functools

import jax
import jax.numpy as jnp
from jax import lax
from jax.experimental import pallas as pl
from jax.experimental.pallas import tpu as pltpu
from jax.experimental.pallas import tpu_sc as plsc

EMBED = 64
CHUNK = 128
NBUF = 10
LAG = 8


@functools.lru_cache(maxsize=None)
def _build_gather(total_rows: int):
    info = plsc.get_sparse_core_info()
    nc, ns = info.num_cores, info.num_subcores
    nw = nc * ns
    assert total_rows % (nw * CHUNK * NBUF) == 0
    groups = total_rows // (nw * CHUNK)
    bodies = groups // NBUF
    mesh = plsc.VectorSubcoreMesh(core_axis_name="c", subcore_axis_name="s")

    @functools.partial(
        pl.kernel,
        mesh=mesh,
        out_type=jax.ShapeDtypeStruct((total_rows, EMBED), jnp.float32),
        scratch_types=(
            [
                pltpu.VMEM((groups, CHUNK), jnp.int32),
                pltpu.VMEM((NBUF * CHUNK, EMBED), jnp.float32),
            ]
            + [pltpu.SemaphoreType.DMA] * (2 * NBUF)
        ),
        compiler_params=pltpu.CompilerParams(use_tc_tiling_on_sc=False),
    )
    def gather(idx_hbm, table_hbm, out_hbm, idx_v, rows_v, *sems):
        gsem = sems[:NBUF]
        osem = sems[NBUF:]
        wid = lax.axis_index("s") * nc + lax.axis_index("c")
        row_base = wid * (groups * CHUNK)

        pltpu.sync_copy(idx_hbm.at[pl.ds(wid * groups, groups)], idx_v)

        def drain_gather(sp):
            pltpu.make_async_copy(
                table_hbm.at[pl.ds(0, CHUNK)],
                rows_v.at[pl.ds(sp * CHUNK, CHUNK)],
                gsem[sp],
            ).wait()

        def fire_write(sp, gp):
            pltpu.async_copy(
                rows_v.at[pl.ds(sp * CHUNK, CHUNK)],
                out_hbm.at[pl.ds(row_base + gp * CHUNK, CHUNK)],
                osem[sp],
            )

        def drain_write(sp):
            pltpu.make_async_copy(
                rows_v.at[pl.ds(sp * CHUNK, CHUNK)],
                out_hbm.at[pl.ds(row_base, CHUNK)],
                osem[sp],
            ).wait()

        def body(t, carry):
            for b in range(NBUF):
                g = t * NBUF + b
                sp = (b - LAG) % NBUF

                @pl.when(g >= NBUF)
                def _(b=b):
                    drain_write(b)

                pltpu.async_copy(
                    table_hbm.at[idx_v.at[g]],
                    rows_v.at[pl.ds(b * CHUNK, CHUNK)],
                    gsem[b],
                )

                @pl.when(g >= LAG)
                def _(sp=sp, g=g):
                    drain_gather(sp)
                    fire_write(sp, g - LAG)
            return carry

        lax.fori_loop(0, bodies, body, 0)

        for k in range(LAG):
            gp = groups - LAG + k
            sp = gp % NBUF
            drain_gather(sp)
            fire_write(sp, gp)
        for b in range(NBUF):
            drain_write(b)

    return gather


def kernel(x, table):
    batch, hist = x.shape
    total = batch * hist
    idx = x.reshape(total // CHUNK, CHUNK).astype(jnp.int32)
    vocab = table.shape[0]
    table_lin = table.reshape(vocab * EMBED).reshape(vocab, EMBED)
    out = _build_gather(total)(idx, table_lin)
    return out.reshape(total * EMBED).reshape(batch, hist, EMBED)

# --- scband reference (transcript-rebuilt; emitter-appended) ---
"""Pipeline reference for scband-gpt2-model-6279242186883 (READ-ONLY COPY).

The authoritative reference and input builder live on the scoring server;
editing this copy changes nothing except your own understanding.
"""

import jax, jax.numpy as jnp
import numpy as np

VOCAB = 1000000
EMBED_DIM = 64
BATCH = 16384
HIST = 50

def setup_inputs(seed: int = 0) -> dict:
    key = jax.random.key(seed)
    k_idx, k_tab = jax.random.split(key)
    x = jax.random.randint(k_idx, (BATCH, HIST), 0, VOCAB, dtype=jnp.int64)
    table = jax.random.normal(k_tab, (VOCAB, EMBED_DIM), dtype=jnp.float32) * 0.02
    return {"x": x, "table": table}

def reference(x, table):
    # Embedding lookup: gather rows of the table by integer ids.
    out = jnp.take(table, x, axis=0)  # [BATCH, HIST, EMBED_DIM]
    return out

if __name__ == "__main__":
    import jax
    _d = setup_inputs()
    print(jax.jit(kernel)(*tuple(_d.values())))

</pallas_src>

<mosaic_0001>
#map = affine_map<(d0, d1) -> (0, 0)>
module attributes {stable_mosaic.version = 14 : i64} {
  func.func @gather(%arg0: i32, %arg1: i32, %arg2: memref<6400x128xi32, #tpu.memory_space<hbm>>, %arg3: memref<1000000x64xf32, #tpu.memory_space<hbm>>, %arg4: memref<819200x64xf32, #tpu.memory_space<hbm>>, %arg5: memref<200x128xi32, #tpu.memory_space<vmem>>, %arg6: memref<1280x64xf32, #tpu.memory_space<vmem>>, %arg7: memref<!tpu.dma_semaphore, #tpu.memory_space<semaphore_mem>>, %arg8: memref<!tpu.dma_semaphore, #tpu.memory_space<semaphore_mem>>, %arg9: memref<!tpu.dma_semaphore, #tpu.memory_space<semaphore_mem>>, %arg10: memref<!tpu.dma_semaphore, #tpu.memory_space<semaphore_mem>>, %arg11: memref<!tpu.dma_semaphore, #tpu.memory_space<semaphore_mem>>, %arg12: memref<!tpu.dma_semaphore, #tpu.memory_space<semaphore_mem>>, %arg13: memref<!tpu.dma_semaphore, #tpu.memory_space<semaphore_mem>>, %arg14: memref<!tpu.dma_semaphore, #tpu.memory_space<semaphore_mem>>, %arg15: memref<!tpu.dma_semaphore, #tpu.memory_space<semaphore_mem>>, %arg16: memref<!tpu.dma_semaphore, #tpu.memory_space<semaphore_mem>>, %arg17: memref<!tpu.dma_semaphore, #tpu.memory_space<semaphore_mem>>, %arg18: memref<!tpu.dma_semaphore, #tpu.memory_space<semaphore_mem>>, %arg19: memref<!tpu.dma_semaphore, #tpu.memory_space<semaphore_mem>>, %arg20: memref<!tpu.dma_semaphore, #tpu.memory_space<semaphore_mem>>, %arg21: memref<!tpu.dma_semaphore, #tpu.memory_space<semaphore_mem>>, %arg22: memref<!tpu.dma_semaphore, #tpu.memory_space<semaphore_mem>>, %arg23: memref<!tpu.dma_semaphore, #tpu.memory_space<semaphore_mem>>, %arg24: memref<!tpu.dma_semaphore, #tpu.memory_space<semaphore_mem>>, %arg25: memref<!tpu.dma_semaphore, #tpu.memory_space<semaphore_mem>>, %arg26: memref<!tpu.dma_semaphore, #tpu.memory_space<semaphore_mem>>) attributes {dimension_semantics = [#tpu.dimension_semantics<core_parallel>, #tpu.dimension_semantics<subcore_parallel>], iteration_bounds = array<i64: 2, 16>, scalar_prefetch = 0 : i64, scratch_operands = 22 : i64, tpu.core_type = #tpu.core_type<sc_vector_subcore>, window_params = [{transform_indices = #map}, {transform_indices = #map}, {transform_indices = #map}]} {
    %mul3A = arith.constant 2 : i32
    %mul3A_0 = arith.muli %arg1, %mul3A : i32
    %add3A = arith.addi %mul3A_0, %arg0 : i32
    %mul3A_1 = arith.constant 25600 : i32
    %mul3A_2 = arith.muli %add3A, %mul3A_1 : i32
    %mul3A_3 = arith.constant 200 : i32
    %mul3A_4 = arith.muli %add3A, %mul3A_3 : i32
    "tpu.region"() ({
      %run_scoped3A = tpu.sem_alloc : memref<!tpu.dma_semaphore, #tpu.memory_space<semaphore_mem>>
      %dma_start3A_300 = arith.constant 0 : i32
      %dma_start3A_301 = tpu.memref_slice %arg2[%mul3A_4, %dma_start3A_300] : memref<6400x128xi32, #tpu.memory_space<hbm>> -> memref<200x128xi32, #tpu.memory_space<hbm>>
      %dma_start3A_302 = arith.constant 0 : i32
      %dma_start3A_303 = tpu.memref_slice %arg2[%mul3A_4, %dma_start3A_302] : memref<6400x128xi32, #tpu.memory_space<hbm>> -> memref<200x128xi32, #tpu.memory_space<hbm>>
      tpu.enqueue_dma source(%dma_start3A_303 : memref<200x128xi32, #tpu.memory_space<hbm>>) target(%arg5 : memref<200x128xi32, #tpu.memory_space<vmem>>) target_semaphore(%run_scoped3A : memref<!tpu.dma_semaphore, #tpu.memory_space<semaphore_mem>>)
      %dma_wait3A_304 = arith.constant 0 : i32
      %dma_wait3A_305 = tpu.memref_slice %arg2[%mul3A_4, %dma_wait3A_304] : memref<6400x128xi32, #tpu.memory_space<hbm>> -> memref<200x128xi32, #tpu.memory_space<hbm>>
      %dma_wait3A_306 = arith.constant 0 : i32
      %dma_wait3A_307 = tpu.memref_slice %arg2[%mul3A_4, %dma_wait3A_306] : memref<6400x128xi32, #tpu.memory_space<hbm>> -> memref<200x128xi32, #tpu.memory_space<hbm>>
      tpu.wait_dma2 semaphore(%run_scoped3A : memref<!tpu.dma_semaphore, #tpu.memory_space<semaphore_mem>>) src(%dma_wait3A_307 : memref<200x128xi32, #tpu.memory_space<hbm>>) dst(%arg5 : memref<200x128xi32, #tpu.memory_space<vmem>>)
      tpu.yield
    }) : () -> ()
    %scan3A = arith.constant 0 : i32
    %scan3A_5 = arith.constant 0 : i32
    %scan3A_6 = arith.constant 20 : i32
    %scan3A_7 = arith.addi %scan3A_5, %scan3A_6 : i32
    %scan3A_8 = arith.constant 1 : i32
    scf.for %scan3A_300 = %scan3A_5 to %scan3A_7 step %scan3A_8  : i32 {
      %mul3A_301 = arith.constant 10 : i32
      %mul3A_302 = arith.muli %scan3A_300, %mul3A_301 : i32
      %add3A_303 = arith.constant 0 : i32
      %add3A_304 = arith.addi %mul3A_302, %add3A_303 : i32
      %ge3A = arith.constant 10 : i32
      %ge3A_305 = arith.cmpi sge, %add3A_304, %ge3A : i32
      %convert_element_type3A = arith.extui %ge3A_305 : i1 to i32
      %cond3A = arith.constant 0 : i32
      %cond3A_306 = arith.cmpi ne, %convert_element_type3A, %cond3A : i32
      scf.if %cond3A_306 {
        %dma_wait3A_528 = arith.constant 0 : i32
        %dma_wait3A_529 = arith.constant 0 : i32
        %dma_wait3A_530 = tpu.memref_slice %arg6[%dma_wait3A_528, %dma_wait3A_529] : memref<1280x64xf32, #tpu.memory_space<vmem>> -> memref<128x64xf32, #tpu.memory_space<vmem>>
        %dma_wait3A_531 = arith.constant 0 : i32
        %dma_wait3A_532 = tpu.memref_slice %arg4[%mul3A_2, %dma_wait3A_531] : memref<819200x64xf32, #tpu.memory_space<hbm>> -> memref<128x64xf32, #tpu.memory_space<hbm>>
        %dma_wait3A_533 = arith.constant 0 : i32
        %dma_wait3A_534 = tpu.memref_slice %arg4[%mul3A_2, %dma_wait3A_533] : memref<819200x64xf32, #tpu.memory_space<hbm>> -> memref<128x64xf32, #tpu.memory_space<hbm>>
        %dma_wait3A_535 = arith.constant 0 : i32
        %dma_wait3A_536 = arith.constant 0 : i32
        %dma_wait3A_537 = tpu.memref_slice %arg6[%dma_wait3A_535, %dma_wait3A_536] : memref<1280x64xf32, #tpu.memory_space<vmem>> -> memref<128x64xf32, #tpu.memory_space<vmem>>
        tpu.wait_dma2 semaphore(%arg17 : memref<!tpu.dma_semaphore, #tpu.memory_space<semaphore_mem>>) src(%dma_wait3A_537 : memref<128x64xf32, #tpu.memory_space<vmem>>) dst(%dma_wait3A_534 : memref<128x64xf32, #tpu.memory_space<hbm>>)
      } else {
      }
      %dma_start3A_307 = arith.constant 0 : i32
      %dma_start3A_308 = arith.constant 0 : i32
      %dma_start3A_309 = tpu.memref_slice %arg6[%dma_start3A_307, %dma_start3A_308] : memref<1280x64xf32, #tpu.memory_space<vmem>> -> memref<128x64xf32, #tpu.memory_space<vmem>>
      %dma_start3A_310 = arith.constant 0 : i32
      %dma_start3A_311 = tpu.memref_slice %arg5[%add3A_304, %dma_start3A_310] : memref<200x128xi32, #tpu.memory_space<vmem>> -> memref<1x128xi32, #tpu.memory_space<vmem>>
      %dma_start3A_312 = tpu.memref_squeeze %dma_start3A_311 : memref<1x128xi32, #tpu.memory_space<vmem>> -> memref<128xi32, #tpu.memory_space<vmem>>
      %dma_start3A_313 = arith.constant 0 : i32
      %dma_start3A_314 = arith.constant 0 : i32
      %dma_start3A_315 = tpu.memref_slice %arg3[%dma_start3A_313, %dma_start3A_314] : memref<1000000x64xf32, #tpu.memory_space<hbm>> -> memref<1000000x64xf32, #tpu.memory_space<hbm>>
      tpu.enqueue_indirect_dma source(%dma_start3A_315 : memref<1000000x64xf32, #tpu.memory_space<hbm>>) target(%dma_start3A_309 : memref<128x64xf32, #tpu.memory_space<vmem>>) offsets(%dma_start3A_312 : memref<128xi32, #tpu.memory_space<vmem>>) semaphore(%arg7 : memref<!tpu.dma_semaphore, #tpu.memory_space<semaphore_mem>>)
      %ge3A_316 = arith.constant 8 : i32
      %ge3A_317 = arith.cmpi sge, %add3A_304, %ge3A_316 : i32
      %convert_element_type3A_318 = arith.extui %ge3A_317 : i1 to i32
      %cond3A_319 = arith.constant 0 : i32
      %cond3A_320 = arith.cmpi ne, %convert_element_type3A_318, %cond3A_319 : i32
      scf.if %cond3A_320 {
        %dma_wait3A_528 = arith.constant 256 : i32
        %dma_wait3A_529 = arith.constant 0 : i32
        %dma_wait3A_530 = tpu.memref_slice %arg6[%dma_wait3A_528, %dma_wait3A_529] : memref<1280x64xf32, #tpu.memory_space<vmem>> -> memref<128x64xf32, #tpu.memory_space<vmem>>
        %dma_wait3A_531 = arith.constant 0 : i32
        %dma_wait3A_532 = arith.constant 0 : i32
        %dma_wait3A_533 = tpu.memref_slice %arg3[%dma_wait3A_531, %dma_wait3A_532] : memref<1000000x64xf32, #tpu.memory_space<hbm>> -> memref<128x64xf32, #tpu.memory_space<hbm>>
        %dma_wait3A_534 = arith.constant 256 : i32
        %dma_wait3A_535 = arith.constant 0 : i32
        %dma_wait3A_536 = tpu.memref_slice %arg6[%dma_wait3A_534, %dma_wait3A_535] : memref<1280x64xf32, #tpu.memory_space<vmem>> -> memref<128x64xf32, #tpu.memory_space<vmem>>
        %dma_wait3A_537 = arith.constant 0 : i32
        %dma_wait3A_538 = arith.constant 0 : i32
        %dma_wait3A_539 = tpu.memref_slice %arg3[%dma_wait3A_537, %dma_wait3A_538] : memref<1000000x64xf32, #tpu.memory_space<hbm>> -> memref<128x64xf32, #tpu.memory_space<hbm>>
        tpu.wait_dma2 semaphore(%arg9 : memref<!tpu.dma_semaphore, #tpu.memory_space<semaphore_mem>>) src(%dma_wait3A_539 : memref<128x64xf32, #tpu.memory_space<hbm>>) dst(%dma_wait3A_536 : memref<128x64xf32, #tpu.memory_space<vmem>>)
        %sub3A = arith.constant 8 : i32
        %sub3A_540 = arith.subi %add3A_304, %sub3A : i32
        %mul3A_541 = arith.constant 128 : i32
        %mul3A_542 = arith.muli %sub3A_540, %mul3A_541 : i32
        %add3A_543 = arith.addi %mul3A_2, %mul3A_542 : i32
        %dma_start3A_544 = arith.constant 256 : i32
        %dma_start3A_545 = arith.constant 0 : i32
        %dma_start3A_546 = tpu.memref_slice %arg6[%dma_start3A_544, %dma_start3A_545] : memref<1280x64xf32, #tpu.memory_space<vmem>> -> memref<128x64xf32, #tpu.memory_space<vmem>>
        %dma_start3A_547 = arith.constant 0 : i32
        %dma_start3A_548 = tpu.memref_slice %arg4[%add3A_543, %dma_start3A_547] : memref<819200x64xf32, #tpu.memory_space<hbm>> -> memref<128x64xf32, #tpu.memory_space<hbm>>
        %dma_start3A_549 = arith.constant 0 : i32
        %dma_start3A_550 = tpu.memref_slice %arg4[%add3A_543, %dma_start3A_549] : memref<819200x64xf32, #tpu.memory_space<hbm>> -> memref<128x64xf32, #tpu.memory_space<hbm>>
        %dma_start3A_551 = arith.constant 256 : i32
        %dma_start3A_552 = arith.constant 0 : i32
        %dma_start3A_553 = tpu.memref_slice %arg6[%dma_start3A_551, %dma_start3A_552] : memref<1280x64xf32, #tpu.memory_space<vmem>> -> memref<128x64xf32, #tpu.memory_space<vmem>>
        tpu.enqueue_dma source(%dma_start3A_553 : memref<128x64xf32, #tpu.memory_space<vmem>>) target(%dma_start3A_550 : memref<128x64xf32, #tpu.memory_space<hbm>>) target_semaphore(%arg19 : memref<!tpu.dma_semaphore, #tpu.memory_space<semaphore_mem>>)
      } else {
      }
      %mul3A_321 = arith.constant 10 : i32
      %mul3A_322 = arith.muli %scan3A_300, %mul3A_321 : i32
      %add3A_323 = arith.constant 1 : i32
      %add3A_324 = arith.addi %mul3A_322, %add3A_323 : i32
      %ge3A_325 = arith.constant 10 : i32
      %ge3A_326 = arith.cmpi sge, %add3A_324, %ge3A_325 : i32
      %convert_element_type3A_327 = arith.extui %ge3A_326 : i1 to i32
      %cond3A_328 = arith.constant 0 : i32
      %cond3A_329 = arith.cmpi ne, %convert_element_type3A_327, %cond3A_328 : i32
      scf.if %cond3A_329 {
        %dma_wait3A_528 = arith.constant 128 : i32
        %dma_wait3A_529 = arith.constant 0 : i32
        %dma_wait3A_530 = tpu.memref_slice %arg6[%dma_wait3A_528, %dma_wait3A_529] : memref<1280x64xf32, #tpu.memory_space<vmem>> -> memref<128x64xf32, #tpu.memory_space<vmem>>
        %dma_wait3A_531 = arith.constant 0 : i32
        %dma_wait3A_532 = tpu.memref_slice %arg4[%mul3A_2, %dma_wait3A_531] : memref<819200x64xf32, #tpu.memory_space<hbm>> -> memref<128x64xf32, #tpu.memory_space<hbm>>
        %dma_wait3A_533 = arith.constant 0 : i32
        %dma_wait3A_534 = tpu.memref_slice %arg4[%mul3A_2, %dma_wait3A_533] : memref<819200x64xf32, #tpu.memory_space<hbm>> -> memref<128x64xf32, #tpu.memory_space<hbm>>
        %dma_wait3A_535 = arith.constant 128 : i32
        %dma_wait3A_536 = arith.constant 0 : i32
        %dma_wait3A_537 = tpu.memref_slice %arg6[%dma_wait3A_535, %dma_wait3A_536] : memref<1280x64xf32, #tpu.memory_space<vmem>> -> memref<128x64xf32, #tpu.memory_space<vmem>>
        tpu.wait_dma2 semaphore(%arg18 : memref<!tpu.dma_semaphore, #tpu.memory_space<semaphore_mem>>) src(%dma_wait3A_537 : memref<128x64xf32, #tpu.memory_space<vmem>>) dst(%dma_wait3A_534 : memref<128x64xf32, #tpu.memory_space<hbm>>)
      } else {
      }
      %dma_start3A_330 = arith.constant 128 : i32
      %dma_start3A_331 = arith.constant 0 : i32
      %dma_start3A_332 = tpu.memref_slice %arg6[%dma_start3A_330, %dma_start3A_331] : memref<1280x64xf32, #tpu.memory_space<vmem>> -> memref<128x64xf32, #tpu.memory_space<vmem>>
      %dma_start3A_333 = arith.constant 0 : i32
      %dma_start3A_334 = tpu.memref_slice %arg5[%add3A_324, %dma_start3A_333] : memref<200x128xi32, #tpu.memory_space<vmem>> -> memref<1x128xi32, #tpu.memory_space<vmem>>
      %dma_start3A_335 = tpu.memref_squeeze %dma_start3A_334 : memref<1x128xi32, #tpu.memory_space<vmem>> -> memref<128xi32, #tpu.memory_space<vmem>>
      %dma_start3A_336 = arith.constant 0 : i32
      %dma_start3A_337 = arith.constant 0 : i32
      %dma_start3A_338 = tpu.memref_slice %arg3[%dma_start3A_336, %dma_start3A_337] : memref<1000000x64xf32, #tpu.memory_space<hbm>> -> memref<1000000x64xf32, #tpu.memory_space<hbm>>
      tpu.enqueue_indirect_dma source(%dma_start3A_338 : memref<1000000x64xf32, #tpu.memory_space<hbm>>) target(%dma_start3A_332 : memref<128x64xf32, #tpu.memory_space<vmem>>) offsets(%dma_start3A_335 : memref<128xi32, #tpu.memory_space<vmem>>) semaphore(%arg8 : memref<!tpu.dma_semaphore, #tpu.memory_space<semaphore_mem>>)
      %ge3A_339 = arith.constant 8 : i32
      %ge3A_340 = arith.cmpi sge, %add3A_324, %ge3A_339 : i32
      %convert_element_type3A_341 = arith.extui %ge3A_340 : i1 to i32
      %cond3A_342 = arith.constant 0 : i32
      %cond3A_343 = arith.cmpi ne, %convert_element_type3A_341, %cond3A_342 : i32
      scf.if %cond3A_343 {
        %dma_wait3A_528 = arith.constant 384 : i32
        %dma_wait3A_529 = arith.constant 0 : i32
        %dma_wait3A_530 = tpu.memref_slice %arg6[%dma_wait3A_528, %dma_wait3A_529] : memref<1280x64xf32, #tpu.memory_space<vmem>> -> memref<128x64xf32, #tpu.memory_space<vmem>>
        %dma_wait3A_531 = arith.constant 0 : i32
        %dma_wait3A_532 = arith.constant 0 : i32
        %dma_wait3A_533 = tpu.memref_slice %arg3[%dma_wait3A_531, %dma_wait3A_532] : memref<1000000x64xf32, #tpu.memory_space<hbm>> -> memref<128x64xf32, #tpu.memory_space<hbm>>
        %dma_wait3A_534 = arith.constant 384 : i32
        %dma_wait3A_535 = arith.constant 0 : i32
        %dma_wait3A_536 = tpu.memref_slice %arg6[%dma_wait3A_534, %dma_wait3A_535] : memref<1280x64xf32, #tpu.memory_space<vmem>> -> memref<128x64xf32, #tpu.memory_space<vmem>>
        %dma_wait3A_537 = arith.constant 0 : i32
        %dma_wait3A_538 = arith.constant 0 : i32
        %dma_wait3A_539 = tpu.memref_slice %arg3[%dma_wait3A_537, %dma_wait3A_538] : memref<1000000x64xf32, #tpu.memory_space<hbm>> -> memref<128x64xf32, #tpu.memory_space<hbm>>
        tpu.wait_dma2 semaphore(%arg10 : memref<!tpu.dma_semaphore, #tpu.memory_space<semaphore_mem>>) src(%dma_wait3A_539 : memref<128x64xf32, #tpu.memory_space<hbm>>) dst(%dma_wait3A_536 : memref<128x64xf32, #tpu.memory_space<vmem>>)
        %sub3A = arith.constant 8 : i32
        %sub3A_540 = arith.subi %add3A_324, %sub3A : i32
        %mul3A_541 = arith.constant 128 : i32
        %mul3A_542 = arith.muli %sub3A_540, %mul3A_541 : i32
        %add3A_543 = arith.addi %mul3A_2, %mul3A_542 : i32
        %dma_start3A_544 = arith.constant 384 : i32
        %dma_start3A_545 = arith.constant 0 : i32
        %dma_start3A_546 = tpu.memref_slice %arg6[%dma_start3A_544, %dma_start3A_545] : memref<1280x64xf32, #tpu.memory_space<vmem>> -> memref<128x64xf32, #tpu.memory_space<vmem>>
        %dma_start3A_547 = arith.constant 0 : i32
        %dma_start3A_548 = tpu.memref_slice %arg4[%add3A_543, %dma_start3A_547] : memref<819200x64xf32, #tpu.memory_space<hbm>> -> memref<128x64xf32, #tpu.memory_space<hbm>>
        %dma_start3A_549 = arith.constant 0 : i32
        %dma_start3A_550 = tpu.memref_slice %arg4[%add3A_543, %dma_start3A_549] : memref<819200x64xf32, #tpu.memory_space<hbm>> -> memref<128x64xf32, #tpu.memory_space<hbm>>
        %dma_start3A_551 = arith.constant 384 : i32
        %dma_start3A_552 = arith.constant 0 : i32
        %dma_start3A_553 = tpu.memref_slice %arg6[%dma_start3A_551, %dma_start3A_552] : memref<1280x64xf32, #tpu.memory_space<vmem>> -> memref<128x64xf32, #tpu.memory_space<vmem>>
        tpu.enqueue_dma source(%dma_start3A_553 : memref<128x64xf32, #tpu.memory_space<vmem>>) target(%dma_start3A_550 : memref<128x64xf32, #tpu.memory_space<hbm>>) target_semaphore(%arg20 : memref<!tpu.dma_semaphore, #tpu.memory_space<semaphore_mem>>)
      } else {
      }
      %mul3A_344 = arith.constant 10 : i32
      %mul3A_345 = arith.muli %scan3A_300, %mul3A_344 : i32
      %add3A_346 = arith.constant 2 : i32
      %add3A_347 = arith.addi %mul3A_345, %add3A_346 : i32
      %ge3A_348 = arith.constant 10 : i32
      %ge3A_349 = arith.cmpi sge, %add3A_347, %ge3A_348 : i32
      %convert_element_type3A_350 = arith.extui %ge3A_349 : i1 to i32
      %cond3A_351 = arith.constant 0 : i32
      %cond3A_352 = arith.cmpi ne, %convert_element_type3A_350, %cond3A_351 : i32
      scf.if %cond3A_352 {
        %dma_wait3A_528 = arith.constant 256 : i32
        %dma_wait3A_529 = arith.constant 0 : i32
        %dma_wait3A_530 = tpu.memref_slice %arg6[%dma_wait3A_528, %dma_wait3A_529] : memref<1280x64xf32, #tpu.memory_space<vmem>> -> memref<128x64xf32, #tpu.memory_space<vmem>>
        %dma_wait3A_531 = arith.constant 0 : i32
        %dma_wait3A_532 = tpu.memref_slice %arg4[%mul3A_2, %dma_wait3A_531] : memref<819200x64xf32, #tpu.memory_space<hbm>> -> memref<128x64xf32, #tpu.memory_space<hbm>>
        %dma_wait3A_533 = arith.constant 0 : i32
        %dma_wait3A_534 = tpu.memref_slice %arg4[%mul3A_2, %dma_wait3A_533] : memref<819200x64xf32, #tpu.memory_space<hbm>> -> memref<128x64xf32, #tpu.memory_space<hbm>>
        %dma_wait3A_535 = arith.constant 256 : i32
        %dma_wait3A_536 = arith.constant 0 : i32
        %dma_wait3A_537 = tpu.memref_slice %arg6[%dma_wait3A_535, %dma_wait3A_536] : memref<1280x64xf32, #tpu.memory_space<vmem>> -> memref<128x64xf32, #tpu.memory_space<vmem>>
        tpu.wait_dma2 semaphore(%arg19 : memref<!tpu.dma_semaphore, #tpu.memory_space<semaphore_mem>>) src(%dma_wait3A_537 : memref<128x64xf32, #tpu.memory_space<vmem>>) dst(%dma_wait3A_534 : memref<128x64xf32, #tpu.memory_space<hbm>>)
      } else {
      }
      %dma_start3A_353 = arith.constant 256 : i32
      %dma_start3A_354 = arith.constant 0 : i32
      %dma_start3A_355 = tpu.memref_slice %arg6[%dma_start3A_353, %dma_start3A_354] : memref<1280x64xf32, #tpu.memory_space<vmem>> -> memref<128x64xf32, #tpu.memory_space<vmem>>
      %dma_start3A_356 = arith.constant 0 : i32
      %dma_start3A_357 = tpu.memref_slice %arg5[%add3A_347, %dma_start3A_356] : memref<200x128xi32, #tpu.memory_space<vmem>> -> memref<1x128xi32, #tpu.memory_space<vmem>>
      %dma_start3A_358 = tpu.memref_squeeze %dma_start3A_357 : memref<1x128xi32, #tpu.memory_space<vmem>> -> memref<128xi32, #tpu.memory_space<vmem>>
      %dma_start3A_359 = arith.constant 0 : i32
      %dma_start3A_360 = arith.constant 0 : i32
      %dma_start3A_361 = tpu.memref_slice %arg3[%dma_start3A_359, %dma_start3A_360] : memref<1000000x64xf32, #tpu.memory_space<hbm>> -> memref<1000000x64xf32, #tpu.memory_space<hbm>>
      tpu.enqueue_indirect_dma source(%dma_start3A_361 : memref<1000000x64xf32, #tpu.memory_space<hbm>>) target(%dma_start3A_355 : memref<128x64xf32, #tpu.memory_space<vmem>>) offsets(%dma_start3A_358 : memref<128xi32, #tpu.memory_space<vmem>>) semaphore(%arg9 : memref<!tpu.dma_semaphore, #tpu.memory_space<semaphore_mem>>)
      %ge3A_362 = arith.constant 8 : i32
      %ge3A_363 = arith.cmpi sge, %add3A_347, %ge3A_362 : i32
      %convert_element_type3A_364 = arith.extui %ge3A_363 : i1 to i32
      %cond3A_365 = arith.constant 0 : i32
      %cond3A_366 = arith.cmpi ne, %convert_element_type3A_364, %cond3A_365 : i32
      scf.if %cond3A_366 {
        %dma_wait3A_528 = arith.constant 512 : i32
        %dma_wait3A_529 = arith.constant 0 : i32
        %dma_wait3A_530 = tpu.memref_slice %arg6[%dma_wait3A_528, %dma_wait3A_529] : memref<1280x64xf32, #tpu.memory_space<vmem>> -> memref<128x64xf32, #tpu.memory_space<vmem>>
        %dma_wait3A_531 = arith.constant 0 : i32
        %dma_wait3A_532 = arith.constant 0 : i32
        %dma_wait3A_533 = tpu.memref_slice %arg3[%dma_wait3A_531, %dma_wait3A_532] : memref<1000000x64xf32, #tpu.memory_space<hbm>> -> memref<128x64xf32, #tpu.memory_space<hbm>>
        %dma_wait3A_534 = arith.constant 512 : i32
        %dma_wait3A_535 = arith.constant 0 : i32
        %dma_wait3A_536 = tpu.memref_slice %arg6[%dma_wait3A_534, %dma_wait3A_535] : memref<1280x64xf32, #tpu.memory_space<vmem>> -> memref<128x64xf32, #tpu.memory_space<vmem>>
        %dma_wait3A_537 = arith.constant 0 : i32
        %dma_wait3A_538 = arith.constant 0 : i32
        %dma_wait3A_539 = tpu.memref_slice %arg3[%dma_wait3A_537, %dma_wait3A_538] : memref<1000000x64xf32, #tpu.memory_space<hbm>> -> memref<128x64xf32, #tpu.memory_space<hbm>>
        tpu.wait_dma2 semaphore(%arg11 : memref<!tpu.dma_semaphore, #tpu.memory_space<semaphore_mem>>) src(%dma_wait3A_539 : memref<128x64xf32, #tpu.memory_space<hbm>>) dst(%dma_wait3A_536 : memref<128x64xf32, #tpu.memory_space<vmem>>)
        %sub3A = arith.constant 8 : i32
        %sub3A_540 = arith.subi %add3A_347, %sub3A : i32
        %mul3A_541 = arith.constant 128 : i32
        %mul3A_542 = arith.muli %sub3A_540, %mul3A_541 : i32
        %add3A_543 = arith.addi %mul3A_2, %mul3A_542 : i32
        %dma_start3A_544 = arith.constant 512 : i32
        %dma_start3A_545 = arith.constant 0 : i32
        %dma_start3A_546 = tpu.memref_slice %arg6[%dma_start3A_544, %dma_start3A_545] : memref<1280x64xf32, #tpu.memory_space<vmem>> -> memref<128x64xf32, #tpu.memory_space<vmem>>
        %dma_start3A_547 = arith.constant 0 : i32
        %dma_start3A_548 = tpu.memref_slice %arg4[%add3A_543, %dma_start3A_547] : memref<819200x64xf32, #tpu.memory_space<hbm>> -> memref<128x64xf32, #tpu.memory_space<hbm>>
        %dma_start3A_549 = arith.constant 0 : i32
        %dma_start3A_550 = tpu.memref_slice %arg4[%add3A_543, %dma_start3A_549] : memref<819200x64xf32, #tpu.memory_space<hbm>> -> memref<128x64xf32, #tpu.memory_space<hbm>>
        %dma_start3A_551 = arith.constant 512 : i32
        %dma_start3A_552 = arith.constant 0 : i32
        %dma_start3A_553 = tpu.memref_slice %arg6[%dma_start3A_551, %dma_start3A_552] : memref<1280x64xf32, #tpu.memory_space<vmem>> -> memref<128x64xf32, #tpu.memory_space<vmem>>
        tpu.enqueue_dma source(%dma_start3A_553 : memref<128x64xf32, #tpu.memory_space<vmem>>) target(%dma_start3A_550 : memref<128x64xf32, #tpu.memory_space<hbm>>) target_semaphore(%arg21 : memref<!tpu.dma_semaphore, #tpu.memory_space<semaphore_mem>>)
      } else {
      }
      %mul3A_367 = arith.constant 10 : i32
      %mul3A_368 = arith.muli %scan3A_300, %mul3A_367 : i32
      %add3A_369 = arith.constant 3 : i32
      %add3A_370 = arith.addi %mul3A_368, %add3A_369 : i32
      %ge3A_371 = arith.constant 10 : i32
      %ge3A_372 = arith.cmpi sge, %add3A_370, %ge3A_371 : i32
      %convert_element_type3A_373 = arith.extui %ge3A_372 : i1 to i32
      %cond3A_374 = arith.constant 0 : i32
      %cond3A_375 = arith.cmpi ne, %convert_element_type3A_373, %cond3A_374 : i32
      scf.if %cond3A_375 {
        %dma_wait3A_528 = arith.constant 384 : i32
        %dma_wait3A_529 = arith.constant 0 : i32
        %dma_wait3A_530 = tpu.memref_slice %arg6[%dma_wait3A_528, %dma_wait3A_529] : memref<1280x64xf32, #tpu.memory_space<vmem>> -> memref<128x64xf32, #tpu.memory_space<vmem>>
        %dma_wait3A_531 = arith.constant 0 : i32
        %dma_wait3A_532 = tpu.memref_slice %arg4[%mul3A_2, %dma_wait3A_531] : memref<819200x64xf32, #tpu.memory_space<hbm>> -> memref<128x64xf32, #tpu.memory_space<hbm>>
        %dma_wait3A_533 = arith.constant 0 : i32
        %dma_wait3A_534 = tpu.memref_slice %arg4[%mul3A_2, %dma_wait3A_533] : memref<819200x64xf32, #tpu.memory_space<hbm>> -> memref<128x64xf32, #tpu.memory_space<hbm>>
        %dma_wait3A_535 = arith.constant 384 : i32
        %dma_wait3A_536 = arith.constant 0 : i32
        %dma_wait3A_537 = tpu.memref_slice %arg6[%dma_wait3A_535, %dma_wait3A_536] : memref<1280x64xf32, #tpu.memory_space<vmem>> -> memref<128x64xf32, #tpu.memory_space<vmem>>
        tpu.wait_dma2 semaphore(%arg20 : memref<!tpu.dma_semaphore, #tpu.memory_space<semaphore_mem>>) src(%dma_wait3A_537 : memref<128x64xf32, #tpu.memory_space<vmem>>) dst(%dma_wait3A_534 : memref<128x64xf32, #tpu.memory_space<hbm>>)
      } else {
      }
      %dma_start3A_376 = arith.constant 384 : i32
      %dma_start3A_377 = arith.constant 0 : i32
      %dma_start3A_378 = tpu.memref_slice %arg6[%dma_start3A_376, %dma_start3A_377] : memref<1280x64xf32, #tpu.memory_space<vmem>> -> memref<128x64xf32, #tpu.memory_space<vmem>>
      %dma_start3A_379 = arith.constant 0 : i32
      %dma_start3A_380 = tpu.memref_slice %arg5[%add3A_370, %dma_start3A_379] : memref<200x128xi32, #tpu.memory_space<vmem>> -> memref<1x128xi32, #tpu.memory_space<vmem>>
      %dma_start3A_381 = tpu.memref_squeeze %dma_start3A_380 : memref<1x128xi32, #tpu.memory_space<vmem>> -> memref<128xi32, #tpu.memory_space<vmem>>
      %dma_start3A_382 = arith.constant 0 : i32
      %dma_start3A_383 = arith.constant 0 : i32
      %dma_start3A_384 = tpu.memref_slice %arg3[%dma_start3A_382, %dma_start3A_383] : memref<1000000x64xf32, #tpu.memory_space<hbm>> -> memref<1000000x64xf32, #tpu.memory_space<hbm>>
      tpu.enqueue_indirect_dma source(%dma_start3A_384 : memref<1000000x64xf32, #tpu.memory_space<hbm>>) target(%dma_start3A_378 : memref<128x64xf32, #tpu.memory_space<vmem>>) offsets(%dma_start3A_381 : memref<128xi32, #tpu.memory_space<vmem>>) semaphore(%arg10 : memref<!tpu.dma_semaphore, #tpu.memory_space<semaphore_mem>>)
      %ge3A_385 = arith.constant 8 : i32
      %ge3A_386 = arith.cmpi sge, %add3A_370, %ge3A_385 : i32
      %convert_element_type3A_387 = arith.extui %ge3A_386 : i1 to i32
      %cond3A_388 = arith.constant 0 : i32
      %cond3A_389 = arith.cmpi ne, %convert_element_type3A_387, %cond3A_388 : i32
      scf.if %cond3A_389 {
        %dma_wait3A_528 = arith.constant 640 : i32
        %dma_wait3A_529 = arith.constant 0 : i32
        %dma_wait3A_530 = tpu.memref_slice %arg6[%dma_wait3A_528, %dma_wait3A_529] : memref<1280x64xf32, #tpu.memory_space<vmem>> -> memref<128x64xf32, #tpu.memory_space<vmem>>
        %dma_wait3A_531 = arith.constant 0 : i32
        %dma_wait3A_532 = arith.constant 0 : i32
        %dma_wait3A_533 = tpu.memref_slice %arg3[%dma_wait3A_531, %dma_wait3A_532] : memref<1000000x64xf32, #tpu.memory_space<hbm>> -> memref<128x64xf32, #tpu.memory_space<hbm>>
        %dma_wait3A_534 = arith.constant 640 : i32
        %dma_wait3A_535 = arith.constant 0 : i32
        %dma_wait3A_536 = tpu.memref_slice %arg6[%dma_wait3A_534, %dma_wait3A_535] : memref<1280x64xf32, #tpu.memory_space<vmem>> -> memref<128x64xf32, #tpu.memory_space<vmem>>
        %dma_wait3A_537 = arith.constant 0 : i32
        %dma_wait3A_538 = arith.constant 0 : i32
        %dma_wait3A_539 = tpu.memref_slice %arg3[%dma_wait3A_537, %dma_wait3A_538] : memref<1000000x64xf32, #tpu.memory_space<hbm>> -> memref<128x64xf32, #tpu.memory_space<hbm>>
        tpu.wait_dma2 semaphore(%arg12 : memref<!tpu.dma_semaphore, #tpu.memory_space<semaphore_mem>>) src(%dma_wait3A_539 : memref<128x64xf32, #tpu.memory_space<hbm>>) dst(%dma_wait3A_536 : memref<128x64xf32, #tpu.memory_space<vmem>>)
        %sub3A = arith.constant 8 : i32
        %sub3A_540 = arith.subi %add3A_370, %sub3A : i32
        %mul3A_541 = arith.constant 128 : i32
        %mul3A_542 = arith.muli %sub3A_540, %mul3A_541 : i32
        %add3A_543 = arith.addi %mul3A_2, %mul3A_542 : i32
        %dma_start3A_544 = arith.constant 640 : i32
        %dma_start3A_545 = arith.constant 0 : i32
        %dma_start3A_546 = tpu.memref_slice %arg6[%dma_start3A_544, %dma_start3A_545] : memref<1280x64xf32, #tpu.memory_space<vmem>> -> memref<128x64xf32, #tpu.memory_space<vmem>>
        %dma_start3A_547 = arith.constant 0 : i32
        %dma_start3A_548 = tpu.memref_slice %arg4[%add3A_543, %dma_start3A_547] : memref<819200x64xf32, #tpu.memory_space<hbm>> -> memref<128x64xf32, #tpu.memory_space<hbm>>
        %dma_start3A_549 = arith.constant 0 : i32
        %dma_start3A_550 = tpu.memref_slice %arg4[%add3A_543, %dma_start3A_549] : memref<819200x64xf32, #tpu.memory_space<hbm>> -> memref<128x64xf32, #tpu.memory_space<hbm>>
        %dma_start3A_551 = arith.constant 640 : i32
        %dma_start3A_552 = arith.constant 0 : i32
        %dma_start3A_553 = tpu.memref_slice %arg6[%dma_start3A_551, %dma_start3A_552] : memref<1280x64xf32, #tpu.memory_space<vmem>> -> memref<128x64xf32, #tpu.memory_space<vmem>>
        tpu.enqueue_dma source(%dma_start3A_553 : memref<128x64xf32, #tpu.memory_space<vmem>>) target(%dma_start3A_550 : memref<128x64xf32, #tpu.memory_space<hbm>>) target_semaphore(%arg22 : memref<!tpu.dma_semaphore, #tpu.memory_space<semaphore_mem>>)
      } else {
      }
      %mul3A_390 = arith.constant 10 : i32
      %mul3A_391 = arith.muli %scan3A_300, %mul3A_390 : i32
      %add3A_392 = arith.constant 4 : i32
      %add3A_393 = arith.addi %mul3A_391, %add3A_392 : i32
      %ge3A_394 = arith.constant 10 : i32
      %ge3A_395 = arith.cmpi sge, %add3A_393, %ge3A_394 : i32
      %convert_element_type3A_396 = arith.extui %ge3A_395 : i1 to i32
      %cond3A_397 = arith.constant 0 : i32
      %cond3A_398 = arith.cmpi ne, %convert_element_type3A_396, %cond3A_397 : i32
      scf.if %cond3A_398 {
        %dma_wait3A_528 = arith.constant 512 : i32
        %dma_wait3A_529 = arith.constant 0 : i32
        %dma_wait3A_530 = tpu.memref_slice %arg6[%dma_wait3A_528, %dma_wait3A_529] : memref<1280x64xf32, #tpu.memory_space<vmem>> -> memref<128x64xf32, #tpu.memory_space<vmem>>
        %dma_wait3A_531 = arith.constant 0 : i32
        %dma_wait3A_532 = tpu.memref_slice %arg4[%mul3A_2, %dma_wait3A_531] : memref<819200x64xf32, #tpu.memory_space<hbm>> -> memref<128x64xf32, #tpu.memory_space<hbm>>
        %dma_wait3A_533 = arith.constant 0 : i32
        %dma_wait3A_534 = tpu.memref_slice %arg4[%mul3A_2, %dma_wait3A_533] : memref<819200x64xf32, #tpu.memory_space<hbm>> -> memref<128x64xf32, #tpu.memory_space<hbm>>
        %dma_wait3A_535 = arith.constant 512 : i32
        %dma_wait3A_536 = arith.constant 0 : i32
        %dma_wait3A_537 = tpu.memref_slice %arg6[%dma_wait3A_535, %dma_wait3A_536] : memref<1280x64xf32, #tpu.memory_space<vmem>> -> memref<128x64xf32, #tpu.memory_space<vmem>>
        tpu.wait_dma2 semaphore(%arg21 : memref<!tpu.dma_semaphore, #tpu.memory_space<semaphore_mem>>) src(%dma_wait3A_537 : memref<128x64xf32, #tpu.memory_space<vmem>>) dst(%dma_wait3A_534 : memref<128x64xf32, #tpu.memory_space<hbm>>)
      } else {
      }
      %dma_start3A_399 = arith.constant 512 : i32
      %dma_start3A_400 = arith.constant 0 : i32
      %dma_start3A_401 = tpu.memref_slice %arg6[%dma_start3A_399, %dma_start3A_400] : memref<1280x64xf32, #tpu.memory_space<vmem>> -> memref<128x64xf32, #tpu.memory_space<vmem>>
      %dma_start3A_402 = arith.constant 0 : i32
      %dma_start3A_403 = tpu.memref_slice %arg5[%add3A_393, %dma_start3A_402] : memref<200x128xi32, #tpu.memory_space<vmem>> -> memref<1x128xi32, #tpu.memory_space<vmem>>
      %dma_start3A_404 = tpu.memref_squeeze %dma_start3A_403 : memref<1x128xi32, #tpu.memory_space<vmem>> -> memref<128xi32, #tpu.memory_space<vmem>>
      %dma_start3A_405 = arith.constant 0 : i32
      %dma_start3A_406 = arith.constant 0 : i32
      %dma_start3A_407 = tpu.memref_slice %arg3[%dma_start3A_405, %dma_start3A_406] : memref<1000000x64xf32, #tpu.memory_space<hbm>> -> memref<1000000x64xf32, #tpu.memory_space<hbm>>
      tpu.enqueue_indirect_dma source(%dma_start3A_407 : memref<1000000x64xf32, #tpu.memory_space<hbm>>) target(%dma_start3A_401 : memref<128x64xf32, #tpu.memory_space<vmem>>) offsets(%dma_start3A_404 : memref<128xi32, #tpu.memory_space<vmem>>) semaphore(%arg11 : memref<!tpu.dma_semaphore, #tpu.memory_space<semaphore_mem>>)
      %ge3A_408 = arith.constant 8 : i32
      %ge3A_409 = arith.cmpi sge, %add3A_393, %ge3A_408 : i32
      %convert_element_type3A_410 = arith.extui %ge3A_409 : i1 to i32
      %cond3A_411 = arith.constant 0 : i32
      %cond3A_412 = arith.cmpi ne, %convert_element_type3A_410, %cond3A_411 : i32
      scf.if %cond3A_412 {
        %dma_wait3A_528 = arith.constant 768 : i32
        %dma_wait3A_529 = arith.constant 0 : i32
        %dma_wait3A_530 = tpu.memref_slice %arg6[%dma_wait3A_528, %dma_wait3A_529] : memref<1280x64xf32, #tpu.memory_space<vmem>> -> memref<128x64xf32, #tpu.memory_space<vmem>>
        %dma_wait3A_531 = arith.constant 0 : i32
        %dma_wait3A_532 = arith.constant 0 : i32
        %dma_wait3A_533 = tpu.memref_slice %arg3[%dma_wait3A_531, %dma_wait3A_532] : memref<1000000x64xf32, #tpu.memory_space<hbm>> -> memref<128x64xf32, #tpu.memory_space<hbm>>
        %dma_wait3A_534 = arith.constant 768 : i32
        %dma_wait3A_535 = arith.constant 0 : i32
        %dma_wait3A_536 = tpu.memref_slice %arg6[%dma_wait3A_534, %dma_wait3A_535] : memref<1280x64xf32, #tpu.memory_space<vmem>> -> memref<128x64xf32, #tpu.memory_space<vmem>>
        %dma_wait3A_537 = arith.constant 0 : i32
        %dma_wait3A_538 = arith.constant 0 : i32
        %dma_wait3A_539 = tpu.memref_slice %arg3[%dma_wait3A_537, %dma_wait3A_538] : memref<1000000x64xf32, #tpu.memory_space<hbm>> -> memref<128x64xf32, #tpu.memory_space<hbm>>
        tpu.wait_dma2 semaphore(%arg13 : memref<!tpu.dma_semaphore, #tpu.memory_space<semaphore_mem>>) src(%dma_wait3A_539 : memref<128x64xf32, #tpu.memory_space<hbm>>) dst(%dma_wait3A_536 : memref<128x64xf32, #tpu.memory_space<vmem>>)
        %sub3A = arith.constant 8 : i32
        %sub3A_540 = arith.subi %add3A_393, %sub3A : i32
        %mul3A_541 = arith.constant 128 : i32
        %mul3A_542 = arith.muli %sub3A_540, %mul3A_541 : i32
        %add3A_543 = arith.addi %mul3A_2, %mul3A_542 : i32
        %dma_start3A_544 = arith.constant 768 : i32
        %dma_start3A_545 = arith.constant 0 : i32
        %dma_start3A_546 = tpu.memref_slice %arg6[%dma_start3A_544, %dma_start3A_545] : memref<1280x64xf32, #tpu.memory_space<vmem>> -> memref<128x64xf32, #tpu.memory_space<vmem>>
        %dma_start3A_547 = arith.constant 0 : i32
        %dma_start3A_548 = tpu.memref_slice %arg4[%add3A_543, %dma_start3A_547] : memref<819200x64xf32, #tpu.memory_space<hbm>> -> memref<128x64xf32, #tpu.memory_space<hbm>>
        %dma_start3A_549 = arith.constant 0 : i32
        %dma_start3A_550 = tpu.memref_slice %arg4[%add3A_543, %dma_start3A_549] : memref<819200x64xf32, #tpu.memory_space<hbm>> -> memref<128x64xf32, #tpu.memory_space<hbm>>
        %dma_start3A_551 = arith.constant 768 : i32
        %dma_start3A_552 = arith.constant 0 : i32
        %dma_start3A_553 = tpu.memref_slice %arg6[%dma_start3A_551, %dma_start3A_552] : memref<1280x64xf32, #tpu.memory_space<vmem>> -> memref<128x64xf32, #tpu.memory_space<vmem>>
        tpu.enqueue_dma source(%dma_start3A_553 : memref<128x64xf32, #tpu.memory_space<vmem>>) target(%dma_start3A_550 : memref<128x64xf32, #tpu.memory_space<hbm>>) target_semaphore(%arg23 : memref<!tpu.dma_semaphore, #tpu.memory_space<semaphore_mem>>)
      } else {
      }
      %mul3A_413 = arith.constant 10 : i32
      %mul3A_414 = arith.muli %scan3A_300, %mul3A_413 : i32
      %add3A_415 = arith.constant 5 : i32
      %add3A_416 = arith.addi %mul3A_414, %add3A_415 : i32
      %ge3A_417 = arith.constant 10 : i32
      %ge3A_418 = arith.cmpi sge, %add3A_416, %ge3A_417 : i32
      %convert_element_type3A_419 = arith.extui %ge3A_418 : i1 to i32
      %cond3A_420 = arith.constant 0 : i32
      %cond3A_421 = arith.cmpi ne, %convert_element_type3A_419, %cond3A_420 : i32
      scf.if %cond3A_421 {
        %dma_wait3A_528 = arith.constant 640 : i32
        %dma_wait3A_529 = arith.constant 0 : i32
        %dma_wait3A_530 = tpu.memref_slice %arg6[%dma_wait3A_528, %dma_wait3A_529] : memref<1280x64xf32, #tpu.memory_space<vmem>> -> memref<128x64xf32, #tpu.memory_space<vmem>>
        %dma_wait3A_531 = arith.constant 0 : i32
        %dma_wait3A_532 = tpu.memref_slice %arg4[%mul3A_2, %dma_wait3A_531] : memref<819200x64xf32, #tpu.memory_space<hbm>> -> memref<128x64xf32, #tpu.memory_space<hbm>>
        %dma_wait3A_533 = arith.constant 0 : i32
        %dma_wait3A_534 = tpu.memref_slice %arg4[%mul3A_2, %dma_wait3A_533] : memref<819200x64xf32, #tpu.memory_space<hbm>> -> memref<128x64xf32, #tpu.memory_space<hbm>>
        %dma_wait3A_535 = arith.constant 640 : i32
        %dma_wait3A_536 = arith.constant 0 : i32
        %dma_wait3A_537 = tpu.memref_slice %arg6[%dma_wait3A_535, %dma_wait3A_536] : memref<1280x64xf32, #tpu.memory_space<vmem>> -> memref<128x64xf32, #tpu.memory_space<vmem>>
        tpu.wait_dma2 semaphore(%arg22 : memref<!tpu.dma_semaphore, #tpu.memory_space<semaphore_mem>>) src(%dma_wait3A_537 : memref<128x64xf32, #tpu.memory_space<vmem>>) dst(%dma_wait3A_534 : memref<128x64xf32, #tpu.memory_space<hbm>>)
      } else {
      }
      %dma_start3A_422 = arith.constant 640 : i32
      %dma_start3A_423 = arith.constant 0 : i32
      %dma_start3A_424 = tpu.memref_slice %arg6[%dma_start3A_422, %dma_start3A_423] : memref<1280x64xf32, #tpu.memory_space<vmem>> -> memref<128x64xf32, #tpu.memory_space<vmem>>
      %dma_start3A_425 = arith.constant 0 : i32
      %dma_start3A_426 = tpu.memref_slice %arg5[%add3A_416, %dma_start3A_425] : memref<200x128xi32, #tpu.memory_space<vmem>> -> memref<1x128xi32, #tpu.memory_space<vmem>>
      %dma_start3A_427 = tpu.memref_squeeze %dma_start3A_426 : memref<1x128xi32, #tpu.memory_space<vmem>> -> memref<128xi32, #tpu.memory_space<vmem>>
      %dma_start3A_428 = arith.constant 0 : i32
      %dma_start3A_429 = arith.constant 0 : i32
      %dma_start3A_430 = tpu.memref_slice %arg3[%dma_start3A_428, %dma_start3A_429] : memref<1000000x64xf32, #tpu.memory_space<hbm>> -> memref<1000000x64xf32, #tpu.memory_space<hbm>>
      tpu.enqueue_indirect_dma source(%dma_start3A_430 : memref<1000000x64xf32, #tpu.memory_space<hbm>>) target(%dma_start3A_424 : memref<128x64xf32, #tpu.memory_space<vmem>>) offsets(%dma_start3A_427 : memref<128xi32, #tpu.memory_space<vmem>>) semaphore(%arg12 : memref<!tpu.dma_semaphore, #tpu.memory_space<semaphore_mem>>)
      %ge3A_431 = arith.constant 8 : i32
      %ge3A_432 = arith.cmpi sge, %add3A_416, %ge3A_431 : i32
      %convert_element_type3A_433 = arith.extui %ge3A_432 : i1 to i32
      %cond3A_434 = arith.constant 0 : i32
      %cond3A_435 = arith.cmpi ne, %convert_element_type3A_433, %cond3A_434 : i32
      scf.if %cond3A_435 {
        %dma_wait3A_528 = arith.constant 896 : i32
        %dma_wait3A_529 = arith.constant 0 : i32
        %dma_wait3A_530 = tpu.memref_slice %arg6[%dma_wait3A_528, %dma_wait3A_529] : memref<1280x64xf32, #tpu.memory_space<vmem>> -> memref<128x64xf32, #tpu.memory_space<vmem>>
        %dma_wait3A_531 = arith.constant 0 : i32
        %dma_wait3A_532 = arith.constant 0 : i32
        %dma_wait3A_533 = tpu.memref_slice %arg3[%dma_wait3A_531, %dma_wait3A_532] : memref<1000000x64xf32, #tpu.memory_space<hbm>> -> memref<128x64xf32, #tpu.memory_space<hbm>>
        %dma_wait3A_534 = arith.constant 896 : i32
        %dma_wait3A_535 = arith.constant 0 : i32
        %dma_wait3A_536 = tpu.memref_slice %arg6[%dma_wait3A_534, %dma_wait3A_535] : memref<1280x64xf32, #tpu.memory_space<vmem>> -> memref<128x64xf32, #tpu.memory_space<vmem>>
        %dma_wait3A_537 = arith.constant 0 : i32
        %dma_wait3A_538 = arith.constant 0 : i32
        %dma_wait3A_539 = tpu.memref_slice %arg3[%dma_wait3A_537, %dma_wait3A_538] : memref<1000000x64xf32, #tpu.memory_space<hbm>> -> memref<128x64xf32, #tpu.memory_space<hbm>>
        tpu.wait_dma2 semaphore(%arg14 : memref<!tpu.dma_semaphore, #tpu.memory_space<semaphore_mem>>) src(%dma_wait3A_539 : memref<128x64xf32, #tpu.memory_space<hbm>>) dst(%dma_wait3A_536 : memref<128x64xf32, #tpu.memory_space<vmem>>)
        %sub3A = arith.constant 8 : i32
        %sub3A_540 = arith.subi %add3A_416, %sub3A : i32
        %mul3A_541 = arith.constant 128 : i32
        %mul3A_542 = arith.muli %sub3A_540, %mul3A_541 : i32
        %add3A_543 = arith.addi %mul3A_2, %mul3A_542 : i32
        %dma_start3A_544 = arith.constant 896 : i32
        %dma_start3A_545 = arith.constant 0 : i32
        %dma_start3A_546 = tpu.memref_slice %arg6[%dma_start3A_544, %dma_start3A_545] : memref<1280x64xf32, #tpu.memory_space<vmem>> -> memref<128x64xf32, #tpu.memory_space<vmem>>
        %dma_start3A_547 = arith.constant 0 : i32
        %dma_start3A_548 = tpu.memref_slice %arg4[%add3A_543, %dma_start3A_547] : memref<819200x64xf32, #tpu.memory_space<hbm>> -> memref<128x64xf32, #tpu.memory_space<hbm>>
        %dma_start3A_549 = arith.constant 0 : i32
        %dma_start3A_550 = tpu.memref_slice %arg4[%add3A_543, %dma_start3A_549] : memref<819200x64xf32, #tpu.memory_space<hbm>> -> memref<128x64xf32, #tpu.memory_space<hbm>>
        %dma_start3A_551 = arith.constant 896 : i32
        %dma_start3A_552 = arith.constant 0 : i32
        %dma_start3A_553 = tpu.memref_slice %arg6[%dma_start3A_551, %dma_start3A_552] : memref<1280x64xf32, #tpu.memory_space<vmem>> -> memref<128x64xf32, #tpu.memory_space<vmem>>
        tpu.enqueue_dma source(%dma_start3A_553 : memref<128x64xf32, #tpu.memory_space<vmem>>) target(%dma_start3A_550 : memref<128x64xf32, #tpu.memory_space<hbm>>) target_semaphore(%arg24 : memref<!tpu.dma_semaphore, #tpu.memory_space<semaphore_mem>>)
      } else {
      }
      %mul3A_436 = arith.constant 10 : i32
      %mul3A_437 = arith.muli %scan3A_300, %mul3A_436 : i32
      %add3A_438 = arith.constant 6 : i32
      %add3A_439 = arith.addi %mul3A_437, %add3A_438 : i32
      %ge3A_440 = arith.constant 10 : i32
      %ge3A_441 = arith.cmpi sge, %add3A_439, %ge3A_440 : i32
      %convert_element_type3A_442 = arith.extui %ge3A_441 : i1 to i32
      %cond3A_443 = arith.constant 0 : i32
      %cond3A_444 = arith.cmpi ne, %convert_element_type3A_442, %cond3A_443 : i32
      scf.if %cond3A_444 {
        %dma_wait3A_528 = arith.constant 768 : i32
        %dma_wait3A_529 = arith.constant 0 : i32
        %dma_wait3A_530 = tpu.memref_slice %arg6[%dma_wait3A_528, %dma_wait3A_529] : memref<1280x64xf32, #tpu.memory_space<vmem>> -> memref<128x64xf32, #tpu.memory_space<vmem>>
        %dma_wait3A_531 = arith.constant 0 : i32
        %dma_wait3A_532 = tpu.memref_slice %arg4[%mul3A_2, %dma_wait3A_531] : memref<819200x64xf32, #tpu.memory_space<hbm>> -> memref<128x64xf32, #tpu.memory_space<hbm>>
        %dma_wait3A_533 = arith.constant 0 : i32
        %dma_wait3A_534 = tpu.memref_slice %arg4[%mul3A_2, %dma_wait3A_533] : memref<819200x64xf32, #tpu.memory_space<hbm>> -> memref<128x64xf32, #tpu.memory_space<hbm>>
        %dma_wait3A_535 = arith.constant 768 : i32
        %dma_wait3A_536 = arith.constant 0 : i32
        %dma_wait3A_537 = tpu.memref_slice %arg6[%dma_wait3A_535, %dma_wait3A_536] : memref<1280x64xf32, #tpu.memory_space<vmem>> -> memref<128x64xf32, #tpu.memory_space<vmem>>
        tpu.wait_dma2 semaphore(%arg23 : memref<!tpu.dma_semaphore, #tpu.memory_space<semaphore_mem>>) src(%dma_wait3A_537 : memref<128x64xf32, #tpu.memory_space<vmem>>) dst(%dma_wait3A_534 : memref<128x64xf32, #tpu.memory_space<hbm>>)
      } else {
      }
      %dma_start3A_445 = arith.constant 768 : i32
      %dma_start3A_446 = arith.constant 0 : i32
      %dma_start3A_447 = tpu.memref_slice %arg6[%dma_start3A_445, %dma_start3A_446] : memref<1280x64xf32, #tpu.memory_space<vmem>> -> memref<128x64xf32, #tpu.memory_space<vmem>>
      %dma_start3A_448 = arith.constant 0 : i32
      %dma_start3A_449 = tpu.memref_slice %arg5[%add3A_439, %dma_start3A_448] : memref<200x128xi32, #tpu.memory_space<vmem>> -> memref<1x128xi32, #tpu.memory_space<vmem>>
      %dma_start3A_450 = tpu.memref_squeeze %dma_start3A_449 : memref<1x128xi32, #tpu.memory_space<vmem>> -> memref<128xi32, #tpu.memory_space<vmem>>
      %dma_start3A_451 = arith.constant 0 : i32
      %dma_start3A_452 = arith.constant 0 : i32
      %dma_start3A_453 = tpu.memref_slice %arg3[%dma_start3A_451, %dma_start3A_452] : memref<1000000x64xf32, #tpu.memory_space<hbm>> -> memref<1000000x64xf32, #tpu.memory_space<hbm>>
      tpu.enqueue_indirect_dma source(%dma_start3A_453 : memref<1000000x64xf32, #tpu.memory_space<hbm>>) target(%dma_start3A_447 : memref<128x64xf32, #tpu.memory_space<vmem>>) offsets(%dma_start3A_450 : memref<128xi32, #tpu.memory_space<vmem>>) semaphore(%arg13 : memref<!tpu.dma_semaphore, #tpu.memory_space<semaphore_mem>>)
      %ge3A_454 = arith.constant 8 : i32
      %ge3A_455 = arith.cmpi sge, %add3A_439, %ge3A_454 : i32
      %convert_element_type3A_456 = arith.extui %ge3A_455 : i1 to i32
      %cond3A_457 = arith.constant 0 : i32
      %cond3A_458 = arith.cmpi ne, %convert_element_type3A_456, %cond3A_457 : i32
      scf.if %cond3A_458 {
        %dma_wait3A_528 = arith.constant 1024 : i32
        %dma_wait3A_529 = arith.constant 0 : i32
        %dma_wait3A_530 = tpu.memref_slice %arg6[%dma_wait3A_528, %dma_wait3A_529] : memref<1280x64xf32, #tpu.memory_space<vmem>> -> memref<128x64xf32, #tpu.memory_space<vmem>>
        %dma_wait3A_531 = arith.constant 0 : i32
        %dma_wait3A_532 = arith.constant 0 : i32
        %dma_wait3A_533 = tpu.memref_slice %arg3[%dma_wait3A_531, %dma_wait3A_532] : memref<1000000x64xf32, #tpu.memory_space<hbm>> -> memref<128x64xf32, #tpu.memory_space<hbm>>
        %dma_wait3A_534 = arith.constant 1024 : i32
        %dma_wait3A_535 = arith.constant 0 : i32
        %dma_wait3A_536 = tpu.memref_slice %arg6[%dma_wait3A_534, %dma_wait3A_535] : memref<1280x64xf32, #tpu.memory_space<vmem>> -> memref<128x64xf32, #tpu.memory_space<vmem>>
        %dma_wait3A_537 = arith.constant 0 : i32
        %dma_wait3A_538 = arith.constant 0 : i32
        %dma_wait3A_539 = tpu.memref_slice %arg3[%dma_wait3A_537, %dma_wait3A_538] : memref<1000000x64xf32, #tpu.memory_space<hbm>> -> memref<128x64xf32, #tpu.memory_space<hbm>>
        tpu.wait_dma2 semaphore(%arg15 : memref<!tpu.dma_semaphore, #tpu.memory_space<semaphore_mem>>) src(%dma_wait3A_539 : memref<128x64xf32, #tpu.memory_space<hbm>>) dst(%dma_wait3A_536 : memref<128x64xf32, #tpu.memory_space<vmem>>)
        %sub3A = arith.constant 8 : i32
        %sub3A_540 = arith.subi %add3A_439, %sub3A : i32
        %mul3A_541 = arith.constant 128 : i32
        %mul3A_542 = arith.muli %sub3A_540, %mul3A_541 : i32
        %add3A_543 = arith.addi %mul3A_2, %mul3A_542 : i32
        %dma_start3A_544 = arith.constant 1024 : i32
        %dma_start3A_545 = arith.constant 0 : i32
        %dma_start3A_546 = tpu.memref_slice %arg6[%dma_start3A_544, %dma_start3A_545] : memref<1280x64xf32, #tpu.memory_space<vmem>> -> memref<128x64xf32, #tpu.memory_space<vmem>>
        %dma_start3A_547 = arith.constant 0 : i32
        %dma_start3A_548 = tpu.memref_slice %arg4[%add3A_543, %dma_start3A_547] : memref<819200x64xf32, #tpu.memory_space<hbm>> -> memref<128x64xf32, #tpu.memory_space<hbm>>
        %dma_start3A_549 = arith.constant 0 : i32
        %dma_start3A_550 = tpu.memref_slice %arg4[%add3A_543, %dma_start3A_549] : memref<819200x64xf32, #tpu.memory_space<hbm>> -> memref<128x64xf32, #tpu.memory_space<hbm>>
        %dma_start3A_551 = arith.constant 1024 : i32
        %dma_start3A_552 = arith.constant 0 : i32
        %dma_start3A_553 = tpu.memref_slice %arg6[%dma_start3A_551, %dma_start3A_552] : memref<1280x64xf32, #tpu.memory_space<vmem>> -> memref<128x64xf32, #tpu.memory_space<vmem>>
        tpu.enqueue_dma source(%dma_start3A_553 : memref<128x64xf32, #tpu.memory_space<vmem>>) target(%dma_start3A_550 : memref<128x64xf32, #tpu.memory_space<hbm>>) target_semaphore(%arg25 : memref<!tpu.dma_semaphore, #tpu.memory_space<semaphore_mem>>)
      } else {
      }
      %mul3A_459 = arith.constant 10 : i32
      %mul3A_460 = arith.muli %scan3A_300, %mul3A_459 : i32
      %add3A_461 = arith.constant 7 : i32
      %add3A_462 = arith.addi %mul3A_460, %add3A_461 : i32
      %ge3A_463 = arith.constant 10 : i32
      %ge3A_464 = arith.cmpi sge, %add3A_462, %ge3A_463 : i32
      %convert_element_type3A_465 = arith.extui %ge3A_464 : i1 to i32
      %cond3A_466 = arith.constant 0 : i32
      %cond3A_467 = arith.cmpi ne, %convert_element_type3A_465, %cond3A_466 : i32
      scf.if %cond3A_467 {
        %dma_wait3A_528 = arith.constant 896 : i32
        %dma_wait3A_529 = arith.constant 0 : i32
        %dma_wait3A_530 = tpu.memref_slice %arg6[%dma_wait3A_528, %dma_wait3A_529] : memref<1280x64xf32, #tpu.memory_space<vmem>> -> memref<128x64xf32, #tpu.memory_space<vmem>>
        %dma_wait3A_531 = arith.constant 0 : i32
        %dma_wait3A_532 = tpu.memref_slice %arg4[%mul3A_2, %dma_wait3A_531] : memref<819200x64xf32, #tpu.memory_space<hbm>> -> memref<128x64xf32, #tpu.memory_space<hbm>>
        %dma_wait3A_533 = arith.constant 0 : i32
        %dma_wait3A_534 = tpu.memref_slice %arg4[%mul3A_2, %dma_wait3A_533] : memref<819200x64xf32, #tpu.memory_space<hbm>> -> memref<128x64xf32, #tpu.memory_space<hbm>>
        %dma_wait3A_535 = arith.constant 896 : i32
        %dma_wait3A_536 = arith.constant 0 : i32
        %dma_wait3A_537 = tpu.memref_slice %arg6[%dma_wait3A_535, %dma_wait3A_536] : memref<1280x64xf32, #tpu.memory_space<vmem>> -> memref<128x64xf32, #tpu.memory_space<vmem>>
        tpu.wait_dma2 semaphore(%arg24 : memref<!tpu.dma_semaphore, #tpu.memory_space<semaphore_mem>>) src(%dma_wait3A_537 : memref<128x64xf32, #tpu.memory_space<vmem>>) dst(%dma_wait3A_534 : memref<128x64xf32, #tpu.memory_space<hbm>>)
      } else {
      }
      %dma_start3A_468 = arith.constant 896 : i32
      %dma_start3A_469 = arith.constant 0 : i32
      %dma_start3A_470 = tpu.memref_slice %arg6[%dma_start3A_468, %dma_start3A_469] : memref<1280x64xf32, #tpu.memory_space<vmem>> -> memref<128x64xf32, #tpu.memory_space<vmem>>
      %dma_start3A_471 = arith.constant 0 : i32
      %dma_start3A_472 = tpu.memref_slice %arg5[%add3A_462, %dma_start3A_471] : memref<200x128xi32, #tpu.memory_space<vmem>> -> memref<1x128xi32, #tpu.memory_space<vmem>>
      %dma_start3A_473 = tpu.memref_squeeze %dma_start3A_472 : memref<1x128xi32, #tpu.memory_space<vmem>> -> memref<128xi32, #tpu.memory_space<vmem>>
      %dma_start3A_474 = arith.constant 0 : i32
      %dma_start3A_475 = arith.constant 0 : i32
      %dma_start3A_476 = tpu.memref_slice %arg3[%dma_start3A_474, %dma_start3A_475] : memref<1000000x64xf32, #tpu.memory_space<hbm>> -> memref<1000000x64xf32, #tpu.memory_space<hbm>>
      tpu.enqueue_indirect_dma source(%dma_start3A_476 : memref<1000000x64xf32, #tpu.memory_space<hbm>>) target(%dma_start3A_470 : memref<128x64xf32, #tpu.memory_space<vmem>>) offsets(%dma_start3A_473 : memref<128xi32, #tpu.memory_space<vmem>>) semaphore(%arg14 : memref<!tpu.dma_semaphore, #tpu.memory_space<semaphore_mem>>)
      %ge3A_477 = arith.constant 8 : i32
      %ge3A_478 = arith.cmpi sge, %add3A_462, %ge3A_477 : i32
      %convert_element_type3A_479 = arith.extui %ge3A_478 : i1 to i32
      %cond3A_480 = arith.constant 0 : i32
      %cond3A_481 = arith.cmpi ne, %convert_element_type3A_479, %cond3A_480 : i32
      scf.if %cond3A_481 {
        %dma_wait3A_528 = arith.constant 1152 : i32
        %dma_wait3A_529 = arith.constant 0 : i32
        %dma_wait3A_530 = tpu.memref_slice %arg6[%dma_wait3A_528, %dma_wait3A_529] : memref<1280x64xf32, #tpu.memory_space<vmem>> -> memref<128x64xf32, #tpu.memory_space<vmem>>
        %dma_wait3A_531 = arith.constant 0 : i32
        %dma_wait3A_532 = arith.constant 0 : i32
        %dma_wait3A_533 = tpu.memref_slice %arg3[%dma_wait3A_531, %dma_wait3A_532] : memref<1000000x64xf32, #tpu.memory_space<hbm>> -> memref<128x64xf32, #tpu.memory_space<hbm>>
        %dma_wait3A_534 = arith.constant 1152 : i32
        %dma_wait3A_535 = arith.constant 0 : i32
        %dma_wait3A_536 = tpu.memref_slice %arg6[%dma_wait3A_534, %dma_wait3A_535] : memref<1280x64xf32, #tpu.memory_space<vmem>> -> memref<128x64xf32, #tpu.memory_space<vmem>>
        %dma_wait3A_537 = arith.constant 0 : i32
        %dma_wait3A_538 = arith.constant 0 : i32
        %dma_wait3A_539 = tpu.memref_slice %arg3[%dma_wait3A_537, %dma_wait3A_538] : memref<1000000x64xf32, #tpu.memory_space<hbm>> -> memref<128x64xf32, #tpu.memory_space<hbm>>
        tpu.wait_dma2 semaphore(%arg16 : memref<!tpu.dma_semaphore, #tpu.memory_space<semaphore_mem>>) src(%dma_wait3A_539 : memref<128x64xf32, #tpu.memory_space<hbm>>) dst(%dma_wait3A_536 : memref<128x64xf32, #tpu.memory_space<vmem>>)
        %sub3A = arith.constant 8 : i32
        %sub3A_540 = arith.subi %add3A_462, %sub3A : i32
        %mul3A_541 = arith.constant 128 : i32
        %mul3A_542 = arith.muli %sub3A_540, %mul3A_541 : i32
        %add3A_543 = arith.addi %mul3A_2, %mul3A_542 : i32
        %dma_start3A_544 = arith.constant 1152 : i32
        %dma_start3A_545 = arith.constant 0 : i32
        %dma_start3A_546 = tpu.memref_slice %arg6[%dma_start3A_544, %dma_start3A_545] : memref<1280x64xf32, #tpu.memory_space<vmem>> -> memref<128x64xf32, #tpu.memory_space<vmem>>
        %dma_start3A_547 = arith.constant 0 : i32
        %dma_start3A_548 = tpu.memref_slice %arg4[%add3A_543, %dma_start3A_547] : memref<819200x64xf32, #tpu.memory_space<hbm>> -> memref<128x64xf32, #tpu.memory_space<hbm>>
        %dma_start3A_549 = arith.constant 0 : i32
        %dma_start3A_550 = tpu.memref_slice %arg4[%add3A_543, %dma_start3A_549] : memref<819200x64xf32, #tpu.memory_space<hbm>> -> memref<128x64xf32, #tpu.memory_space<hbm>>
        %dma_start3A_551 = arith.constant 1152 : i32
        %dma_start3A_552 = arith.constant 0 : i32
        %dma_start3A_553 = tpu.memref_slice %arg6[%dma_start3A_551, %dma_start3A_552] : memref<1280x64xf32, #tpu.memory_space<vmem>> -> memref<128x64xf32, #tpu.memory_space<vmem>>
        tpu.enqueue_dma source(%dma_start3A_553 : memref<128x64xf32, #tpu.memory_space<vmem>>) target(%dma_start3A_550 : memref<128x64xf32, #tpu.memory_space<hbm>>) target_semaphore(%arg26 : memref<!tpu.dma_semaphore, #tpu.memory_space<semaphore_mem>>)
      } else {
      }
      %mul3A_482 = arith.constant 10 : i32
      %mul3A_483 = arith.muli %scan3A_300, %mul3A_482 : i32
      %add3A_484 = arith.constant 8 : i32
      %add3A_485 = arith.addi %mul3A_483, %add3A_484 : i32
      %ge3A_486 = arith.constant 10 : i32
      %ge3A_487 = arith.cmpi sge, %add3A_485, %ge3A_486 : i32
      %convert_element_type3A_488 = arith.extui %ge3A_487 : i1 to i32
      %cond3A_489 = arith.constant 0 : i32
      %cond3A_490 = arith.cmpi ne, %convert_element_type3A_488, %cond3A_489 : i32
      scf.if %cond3A_490 {
        %dma_wait3A_528 = arith.constant 1024 : i32
        %dma_wait3A_529 = arith.constant 0 : i32
        %dma_wait3A_530 = tpu.memref_slice %arg6[%dma_wait3A_528, %dma_wait3A_529] : memref<1280x64xf32, #tpu.memory_space<vmem>> -> memref<128x64xf32, #tpu.memory_space<vmem>>
        %dma_wait3A_531 = arith.constant 0 : i32
        %dma_wait3A_532 = tpu.memref_slice %arg4[%mul3A_2, %dma_wait3A_531] : memref<819200x64xf32, #tpu.memory_space<hbm>> -> memref<128x64xf32, #tpu.memory_space<hbm>>
        %dma_wait3A_533 = arith.constant 0 : i32
        %dma_wait3A_534 = tpu.memref_slice %arg4[%mul3A_2, %dma_wait3A_533] : memref<819200x64xf32, #tpu.memory_space<hbm>> -> memref<128x64xf32, #tpu.memory_space<hbm>>
        %dma_wait3A_535 = arith.constant 1024 : i32
        %dma_wait3A_536 = arith.constant 0 : i32
        %dma_wait3A_537 = tpu.memref_slice %arg6[%dma_wait3A_535, %dma_wait3A_536] : memref<1280x64xf32, #tpu.memory_space<vmem>> -> memref<128x64xf32, #tpu.memory_space<vmem>>
        tpu.wait_dma2 semaphore(%arg25 : memref<!tpu.dma_semaphore, #tpu.memory_space<semaphore_mem>>) src(%dma_wait3A_537 : memref<128x64xf32, #tpu.memory_space<vmem>>) dst(%dma_wait3A_534 : memref<128x64xf32, #tpu.memory_space<hbm>>)
      } else {
      }
      %dma_start3A_491 = arith.constant 1024 : i32
      %dma_start3A_492 = arith.constant 0 : i32
      %dma_start3A_493 = tpu.memref_slice %arg6[%dma_start3A_491, %dma_start3A_492] : memref<1280x64xf32, #tpu.memory_space<vmem>> -> memref<128x64xf32, #tpu.memory_space<vmem>>
      %dma_start3A_494 = arith.constant 0 : i32
      %dma_start3A_495 = tpu.memref_slice %arg5[%add3A_485, %dma_start3A_494] : memref<200x128xi32, #tpu.memory_space<vmem>> -> memref<1x128xi32, #tpu.memory_space<vmem>>
      %dma_start3A_496 = tpu.memref_squeeze %dma_start3A_495 : memref<1x128xi32, #tpu.memory_space<vmem>> -> memref<128xi32, #tpu.memory_space<vmem>>
      %dma_start3A_497 = arith.constant 0 : i32
      %dma_start3A_498 = arith.constant 0 : i32
      %dma_start3A_499 = tpu.memref_slice %arg3[%dma_start3A_497, %dma_start3A_498] : memref<1000000x64xf32, #tpu.memory_space<hbm>> -> memref<1000000x64xf32, #tpu.memory_space<hbm>>
      tpu.enqueue_indirect_dma source(%dma_start3A_499 : memref<1000000x64xf32, #tpu.memory_space<hbm>>) target(%dma_start3A_493 : memref<128x64xf32, #tpu.memory_space<vmem>>) offsets(%dma_start3A_496 : memref<128xi32, #tpu.memory_space<vmem>>) semaphore(%arg15 : memref<!tpu.dma_semaphore, #tpu.memory_space<semaphore_mem>>)
      %ge3A_500 = arith.constant 8 : i32
      %ge3A_501 = arith.cmpi sge, %add3A_485, %ge3A_500 : i32
      %convert_element_type3A_502 = arith.extui %ge3A_501 : i1 to i32
      %cond3A_503 = arith.constant 0 : i32
      %cond3A_504 = arith.cmpi ne, %convert_element_type3A_502, %cond3A_503 : i32
      scf.if %cond3A_504 {
        %dma_wait3A_528 = arith.constant 0 : i32
        %dma_wait3A_529 = arith.constant 0 : i32
        %dma_wait3A_530 = tpu.memref_slice %arg6[%dma_wait3A_528, %dma_wait3A_529] : memref<1280x64xf32, #tpu.memory_space<vmem>> -> memref<128x64xf32, #tpu.memory_space<vmem>>
        %dma_wait3A_531 = arith.constant 0 : i32
        %dma_wait3A_532 = arith.constant 0 : i32
        %dma_wait3A_533 = tpu.memref_slice %arg3[%dma_wait3A_531, %dma_wait3A_532] : memref<1000000x64xf32, #tpu.memory_space<hbm>> -> memref<128x64xf32, #tpu.memory_space<hbm>>
        %dma_wait3A_534 = arith.constant 0 : i32
        %dma_wait3A_535 = arith.constant 0 : i32
        %dma_wait3A_536 = tpu.memref_slice %arg6[%dma_wait3A_534, %dma_wait3A_535] : memref<1280x64xf32, #tpu.memory_space<vmem>> -> memref<128x64xf32, #tpu.memory_space<vmem>>
        %dma_wait3A_537 = arith.constant 0 : i32
        %dma_wait3A_538 = arith.constant 0 : i32
        %dma_wait3A_539 = tpu.memref_slice %arg3[%dma_wait3A_537, %dma_wait3A_538] : memref<1000000x64xf32, #tpu.memory_space<hbm>> -> memref<128x64xf32, #tpu.memory_space<hbm>>
        tpu.wait_dma2 semaphore(%arg7 : memref<!tpu.dma_semaphore, #tpu.memory_space<semaphore_mem>>) src(%dma_wait3A_539 : memref<128x64xf32, #tpu.memory_space<hbm>>) dst(%dma_wait3A_536 : memref<128x64xf32, #tpu.memory_space<vmem>>)
        %sub3A = arith.constant 8 : i32
        %sub3A_540 = arith.subi %add3A_485, %sub3A : i32
        %mul3A_541 = arith.constant 128 : i32
        %mul3A_542 = arith.muli %sub3A_540, %mul3A_541 : i32
        %add3A_543 = arith.addi %mul3A_2, %mul3A_542 : i32
        %dma_start3A_544 = arith.constant 0 : i32
        %dma_start3A_545 = arith.constant 0 : i32
        %dma_start3A_546 = tpu.memref_slice %arg6[%dma_start3A_544, %dma_start3A_545] : memref<1280x64xf32, #tpu.memory_space<vmem>> -> memref<128x64xf32, #tpu.memory_space<vmem>>
        %dma_start3A_547 = arith.constant 0 : i32
        %dma_start3A_548 = tpu.memref_slice %arg4[%add3A_543, %dma_start3A_547] : memref<819200x64xf32, #tpu.memory_space<hbm>> -> memref<128x64xf32, #tpu.memory_space<hbm>>
        %dma_start3A_549 = arith.constant 0 : i32
        %dma_start3A_550 = tpu.memref_slice %arg4[%add3A_543, %dma_start3A_549] : memref<819200x64xf32, #tpu.memory_space<hbm>> -> memref<128x64xf32, #tpu.memory_space<hbm>>
        %dma_start3A_551 = arith.constant 0 : i32
        %dma_start3A_552 = arith.constant 0 : i32
        %dma_start3A_553 = tpu.memref_slice %arg6[%dma_start3A_551, %dma_start3A_552] : memref<1280x64xf32, #tpu.memory_space<vmem>> -> memref<128x64xf32, #tpu.memory_space<vmem>>
        tpu.enqueue_dma source(%dma_start3A_553 : memref<128x64xf32, #tpu.memory_space<vmem>>) target(%dma_start3A_550 : memref<128x64xf32, #tpu.memory_space<hbm>>) target_semaphore(%arg17 : memref<!tpu.dma_semaphore, #tpu.memory_space<semaphore_mem>>)
      } else {
      }
      %mul3A_505 = arith.constant 10 : i32
      %mul3A_506 = arith.muli %scan3A_300, %mul3A_505 : i32
      %add3A_507 = arith.constant 9 : i32
      %add3A_508 = arith.addi %mul3A_506, %add3A_507 : i32
      %ge3A_509 = arith.constant 10 : i32
      %ge3A_510 = arith.cmpi sge, %add3A_508, %ge3A_509 : i32
      %convert_element_type3A_511 = arith.extui %ge3A_510 : i1 to i32
      %cond3A_512 = arith.constant 0 : i32
      %cond3A_513 = arith.cmpi ne, %convert_element_type3A_511, %cond3A_512 : i32
      scf.if %cond3A_513 {
        %dma_wait3A_528 = arith.constant 1152 : i32
        %dma_wait3A_529 = arith.constant 0 : i32
        %dma_wait3A_530 = tpu.memref_slice %arg6[%dma_wait3A_528, %dma_wait3A_529] : memref<1280x64xf32, #tpu.memory_space<vmem>> -> memref<128x64xf32, #tpu.memory_space<vmem>>
        %dma_wait3A_531 = arith.constant 0 : i32
        %dma_wait3A_532 = tpu.memref_slice %arg4[%mul3A_2, %dma_wait3A_531] : memref<819200x64xf32, #tpu.memory_space<hbm>> -> memref<128x64xf32, #tpu.memory_space<hbm>>
        %dma_wait3A_533 = arith.constant 0 : i32
        %dma_wait3A_534 = tpu.memref_slice %arg4[%mul3A_2, %dma_wait3A_533] : memref<819200x64xf32, #tpu.memory_space<hbm>> -> memref<128x64xf32, #tpu.memory_space<hbm>>
        %dma_wait3A_535 = arith.constant 1152 : i32
        %dma_wait3A_536 = arith.constant 0 : i32
        %dma_wait3A_537 = tpu.memref_slice %arg6[%dma_wait3A_535, %dma_wait3A_536] : memref<1280x64xf32, #tpu.memory_space<vmem>> -> memref<128x64xf32, #tpu.memory_space<vmem>>
        tpu.wait_dma2 semaphore(%arg26 : memref<!tpu.dma_semaphore, #tpu.memory_space<semaphore_mem>>) src(%dma_wait3A_537 : memref<128x64xf32, #tpu.memory_space<vmem>>) dst(%dma_wait3A_534 : memref<128x64xf32, #tpu.memory_space<hbm>>)
      } else {
      }
      %dma_start3A_514 = arith.constant 1152 : i32
      %dma_start3A_515 = arith.constant 0 : i32
      %dma_start3A_516 = tpu.memref_slice %arg6[%dma_start3A_514, %dma_start3A_515] : memref<1280x64xf32, #tpu.memory_space<vmem>> -> memref<128x64xf32, #tpu.memory_space<vmem>>
      %dma_start3A_517 = arith.constant 0 : i32
      %dma_start3A_518 = tpu.memref_slice %arg5[%add3A_508, %dma_start3A_517] : memref<200x128xi32, #tpu.memory_space<vmem>> -> memref<1x128xi32, #tpu.memory_space<vmem>>
      %dma_start3A_519 = tpu.memref_squeeze %dma_start3A_518 : memref<1x128xi32, #tpu.memory_space<vmem>> -> memref<128xi32, #tpu.memory_space<vmem>>
      %dma_start3A_520 = arith.constant 0 : i32
      %dma_start3A_521 = arith.constant 0 : i32
      %dma_start3A_522 = tpu.memref_slice %arg3[%dma_start3A_520, %dma_start3A_521] : memref<1000000x64xf32, #tpu.memory_space<hbm>> -> memref<1000000x64xf32, #tpu.memory_space<hbm>>
      tpu.enqueue_indirect_dma source(%dma_start3A_522 : memref<1000000x64xf32, #tpu.memory_space<hbm>>) target(%dma_start3A_516 : memref<128x64xf32, #tpu.memory_space<vmem>>) offsets(%dma_start3A_519 : memref<128xi32, #tpu.memory_space<vmem>>) semaphore(%arg16 : memref<!tpu.dma_semaphore, #tpu.memory_space<semaphore_mem>>)
      %ge3A_523 = arith.constant 8 : i32
      %ge3A_524 = arith.cmpi sge, %add3A_508, %ge3A_523 : i32
      %convert_element_type3A_525 = arith.extui %ge3A_524 : i1 to i32
      %cond3A_526 = arith.constant 0 : i32
      %cond3A_527 = arith.cmpi ne, %convert_element_type3A_525, %cond3A_526 : i32
      scf.if %cond3A_527 {
        %dma_wait3A_528 = arith.constant 128 : i32
        %dma_wait3A_529 = arith.constant 0 : i32
        %dma_wait3A_530 = tpu.memref_slice %arg6[%dma_wait3A_528, %dma_wait3A_529] : memref<1280x64xf32, #tpu.memory_space<vmem>> -> memref<128x64xf32, #tpu.memory_space<vmem>>
        %dma_wait3A_531 = arith.constant 0 : i32
        %dma_wait3A_532 = arith.constant 0 : i32
        %dma_wait3A_533 = tpu.memref_slice %arg3[%dma_wait3A_531, %dma_wait3A_532] : memref<1000000x64xf32, #tpu.memory_space<hbm>> -> memref<128x64xf32, #tpu.memory_space<hbm>>
        %dma_wait3A_534 = arith.constant 128 : i32
        %dma_wait3A_535 = arith.constant 0 : i32
        %dma_wait3A_536 = tpu.memref_slice %arg6[%dma_wait3A_534, %dma_wait3A_535] : memref<1280x64xf32, #tpu.memory_space<vmem>> -> memref<128x64xf32, #tpu.memory_space<vmem>>
        %dma_wait3A_537 = arith.constant 0 : i32
        %dma_wait3A_538 = arith.constant 0 : i32
        %dma_wait3A_539 = tpu.memref_slice %arg3[%dma_wait3A_537, %dma_wait3A_538] : memref<1000000x64xf32, #tpu.memory_space<hbm>> -> memref<128x64xf32, #tpu.memory_space<hbm>>
        tpu.wait_dma2 semaphore(%arg8 : memref<!tpu.dma_semaphore, #tpu.memory_space<semaphore_mem>>) src(%dma_wait3A_539 : memref<128x64xf32, #tpu.memory_space<hbm>>) dst(%dma_wait3A_536 : memref<128x64xf32, #tpu.memory_space<vmem>>)
        %sub3A = arith.constant 8 : i32
        %sub3A_540 = arith.subi %add3A_508, %sub3A : i32
        %mul3A_541 = arith.constant 128 : i32
        %mul3A_542 = arith.muli %sub3A_540, %mul3A_541 : i32
        %add3A_543 = arith.addi %mul3A_2, %mul3A_542 : i32
        %dma_start3A_544 = arith.constant 128 : i32
        %dma_start3A_545 = arith.constant 0 : i32
        %dma_start3A_546 = tpu.memref_slice %arg6[%dma_start3A_544, %dma_start3A_545] : memref<1280x64xf32, #tpu.memory_space<vmem>> -> memref<128x64xf32, #tpu.memory_space<vmem>>
        %dma_start3A_547 = arith.constant 0 : i32
        %dma_start3A_548 = tpu.memref_slice %arg4[%add3A_543, %dma_start3A_547] : memref<819200x64xf32, #tpu.memory_space<hbm>> -> memref<128x64xf32, #tpu.memory_space<hbm>>
        %dma_start3A_549 = arith.constant 0 : i32
        %dma_start3A_550 = tpu.memref_slice %arg4[%add3A_543, %dma_start3A_549] : memref<819200x64xf32, #tpu.memory_space<hbm>> -> memref<128x64xf32, #tpu.memory_space<hbm>>
        %dma_start3A_551 = arith.constant 128 : i32
        %dma_start3A_552 = arith.constant 0 : i32
        %dma_start3A_553 = tpu.memref_slice %arg6[%dma_start3A_551, %dma_start3A_552] : memref<1280x64xf32, #tpu.memory_space<vmem>> -> memref<128x64xf32, #tpu.memory_space<vmem>>
        tpu.enqueue_dma source(%dma_start3A_553 : memref<128x64xf32, #tpu.memory_space<vmem>>) target(%dma_start3A_550 : memref<128x64xf32, #tpu.memory_space<hbm>>) target_semaphore(%arg18 : memref<!tpu.dma_semaphore, #tpu.memory_space<semaphore_mem>>)
      } else {
      }
    }
    %scan3A_9 = arith.constant 20 : i32
    %dma_wait3A = arith.constant 256 : i32
    %dma_wait3A_10 = arith.constant 0 : i32
    %dma_wait3A_11 = tpu.memref_slice %arg6[%dma_wait3A, %dma_wait3A_10] : memref<1280x64xf32, #tpu.memory_space<vmem>> -> memref<128x64xf32, #tpu.memory_space<vmem>>
    %dma_wait3A_12 = arith.constant 0 : i32
    %dma_wait3A_13 = arith.constant 0 : i32
    %dma_wait3A_14 = tpu.memref_slice %arg3[%dma_wait3A_12, %dma_wait3A_13] : memref<1000000x64xf32, #tpu.memory_space<hbm>> -> memref<128x64xf32, #tpu.memory_space<hbm>>
    %dma_wait3A_15 = arith.constant 256 : i32
    %dma_wait3A_16 = arith.constant 0 : i32
    %dma_wait3A_17 = tpu.memref_slice %arg6[%dma_wait3A_15, %dma_wait3A_16] : memref<1280x64xf32, #tpu.memory_space<vmem>> -> memref<128x64xf32, #tpu.memory_space<vmem>>
    %dma_wait3A_18 = arith.constant 0 : i32
    %dma_wait3A_19 = arith.constant 0 : i32
    %dma_wait3A_20 = tpu.memref_slice %arg3[%dma_wait3A_18, %dma_wait3A_19] : memref<1000000x64xf32, #tpu.memory_space<hbm>> -> memref<128x64xf32, #tpu.memory_space<hbm>>
    tpu.wait_dma2 semaphore(%arg9 : memref<!tpu.dma_semaphore, #tpu.memory_space<semaphore_mem>>) src(%dma_wait3A_20 : memref<128x64xf32, #tpu.memory_space<hbm>>) dst(%dma_wait3A_17 : memref<128x64xf32, #tpu.memory_space<vmem>>)
    %add3A_21 = arith.constant 24576 : i32
    %add3A_22 = arith.addi %mul3A_2, %add3A_21 : i32
    %dma_start3A = arith.constant 256 : i32
    %dma_start3A_23 = arith.constant 0 : i32
    %dma_start3A_24 = tpu.memref_slice %arg6[%dma_start3A, %dma_start3A_23] : memref<1280x64xf32, #tpu.memory_space<vmem>> -> memref<128x64xf32, #tpu.memory_space<vmem>>
    %dma_start3A_25 = arith.constant 0 : i32
    %dma_start3A_26 = tpu.memref_slice %arg4[%add3A_22, %dma_start3A_25] : memref<819200x64xf32, #tpu.memory_space<hbm>> -> memref<128x64xf32, #tpu.memory_space<hbm>>
    %dma_start3A_27 = arith.constant 0 : i32
    %dma_start3A_28 = tpu.memref_slice %arg4[%add3A_22, %dma_start3A_27] : memref<819200x64xf32, #tpu.memory_space<hbm>> -> memref<128x64xf32, #tpu.memory_space<hbm>>
    %dma_start3A_29 = arith.constant 256 : i32
    %dma_start3A_30 = arith.constant 0 : i32
    %dma_start3A_31 = tpu.memref_slice %arg6[%dma_start3A_29, %dma_start3A_30] : memref<1280x64xf32, #tpu.memory_space<vmem>> -> memref<128x64xf32, #tpu.memory_space<vmem>>
    tpu.enqueue_dma source(%dma_start3A_31 : memref<128x64xf32, #tpu.memory_space<vmem>>) target(%dma_start3A_28 : memref<128x64xf32, #tpu.memory_space<hbm>>) target_semaphore(%arg19 : memref<!tpu.dma_semaphore, #tpu.memory_space<semaphore_mem>>)
    %dma_wait3A_32 = arith.constant 384 : i32
    %dma_wait3A_33 = arith.constant 0 : i32
    %dma_wait3A_34 = tpu.memref_slice %arg6[%dma_wait3A_32, %dma_wait3A_33] : memref<1280x64xf32, #tpu.memory_space<vmem>> -> memref<128x64xf32, #tpu.memory_space<vmem>>
    %dma_wait3A_35 = arith.constant 0 : i32
    %dma_wait3A_36 = arith.constant 0 : i32
    %dma_wait3A_37 = tpu.memref_slice %arg3[%dma_wait3A_35, %dma_wait3A_36] : memref<1000000x64xf32, #tpu.memory_space<hbm>> -> memref<128x64xf32, #tpu.memory_space<hbm>>
    %dma_wait3A_38 = arith.constant 384 : i32
    %dma_wait3A_39 = arith.constant 0 : i32
    %dma_wait3A_40 = tpu.memref_slice %arg6[%dma_wait3A_38, %dma_wait3A_39] : memref<1280x64xf32, #tpu.memory_space<vmem>> -> memref<128x64xf32, #tpu.memory_space<vmem>>
    %dma_wait3A_41 = arith.constant 0 : i32
    %dma_wait3A_42 = arith.constant 0 : i32
    %dma_wait3A_43 = tpu.memref_slice %arg3[%dma_wait3A_41, %dma_wait3A_42] : memref<1000000x64xf32, #tpu.memory_space<hbm>> -> memref<128x64xf32, #tpu.memory_space<hbm>>
    tpu.wait_dma2 semaphore(%arg10 : memref<!tpu.dma_semaphore, #tpu.memory_space<semaphore_mem>>) src(%dma_wait3A_43 : memref<128x64xf32, #tpu.memory_space<hbm>>) dst(%dma_wait3A_40 : memref<128x64xf32, #tpu.memory_space<vmem>>)
    %add3A_44 = arith.constant 24704 : i32
    %add3A_45 = arith.addi %mul3A_2, %add3A_44 : i32
    %dma_start3A_46 = arith.constant 384 : i32
    %dma_start3A_47 = arith.constant 0 : i32
    %dma_start3A_48 = tpu.memref_slice %arg6[%dma_start3A_46, %dma_start3A_47] : memref<1280x64xf32, #tpu.memory_space<vmem>> -> memref<128x64xf32, #tpu.memory_space<vmem>>
    %dma_start3A_49 = arith.constant 0 : i32
    %dma_start3A_50 = tpu.memref_slice %arg4[%add3A_45, %dma_start3A_49] : memref<819200x64xf32, #tpu.memory_space<hbm>> -> memref<128x64xf32, #tpu.memory_space<hbm>>
    %dma_start3A_51 = arith.constant 0 : i32
    %dma_start3A_52 = tpu.memref_slice %arg4[%add3A_45, %dma_start3A_51] : memref<819200x64xf32, #tpu.memory_space<hbm>> -> memref<128x64xf32, #tpu.memory_space<hbm>>
    %dma_start3A_53 = arith.constant 384 : i32
    %dma_start3A_54 = arith.constant 0 : i32
    %dma_start3A_55 = tpu.memref_slice %arg6[%dma_start3A_53, %dma_start3A_54] : memref<1280x64xf32, #tpu.memory_space<vmem>> -> memref<128x64xf32, #tpu.memory_space<vmem>>
    tpu.enqueue_dma source(%dma_start3A_55 : memref<128x64xf32, #tpu.memory_space<vmem>>) target(%dma_start3A_52 : memref<128x64xf32, #tpu.memory_space<hbm>>) target_semaphore(%arg20 : memref<!tpu.dma_semaphore, #tpu.memory_space<semaphore_mem>>)
    %dma_wait3A_56 = arith.constant 512 : i32
    %dma_wait3A_57 = arith.constant 0 : i32
    %dma_wait3A_58 = tpu.memref_slice %arg6[%dma_wait3A_56, %dma_wait3A_57] : memref<1280x64xf32, #tpu.memory_space<vmem>> -> memref<128x64xf32, #tpu.memory_space<vmem>>
    %dma_wait3A_59 = arith.constant 0 : i32
    %dma_wait3A_60 = arith.constant 0 : i32
    %dma_wait3A_61 = tpu.memref_slice %arg3[%dma_wait3A_59, %dma_wait3A_60] : memref<1000000x64xf32, #tpu.memory_space<hbm>> -> memref<128x64xf32, #tpu.memory_space<hbm>>
    %dma_wait3A_62 = arith.constant 512 : i32
    %dma_wait3A_63 = arith.constant 0 : i32
    %dma_wait3A_64 = tpu.memref_slice %arg6[%dma_wait3A_62, %dma_wait3A_63] : memref<1280x64xf32, #tpu.memory_space<vmem>> -> memref<128x64xf32, #tpu.memory_space<vmem>>
    %dma_wait3A_65 = arith.constant 0 : i32
    %dma_wait3A_66 = arith.constant 0 : i32
    %dma_wait3A_67 = tpu.memref_slice %arg3[%dma_wait3A_65, %dma_wait3A_66] : memref<1000000x64xf32, #tpu.memory_space<hbm>> -> memref<128x64xf32, #tpu.memory_space<hbm>>
    tpu.wait_dma2 semaphore(%arg11 : memref<!tpu.dma_semaphore, #tpu.memory_space<semaphore_mem>>) src(%dma_wait3A_67 : memref<128x64xf32, #tpu.memory_space<hbm>>) dst(%dma_wait3A_64 : memref<128x64xf32, #tpu.memory_space<vmem>>)
    %add3A_68 = arith.constant 24832 : i32
    %add3A_69 = arith.addi %mul3A_2, %add3A_68 : i32
    %dma_start3A_70 = arith.constant 512 : i32
    %dma_start3A_71 = arith.constant 0 : i32
    %dma_start3A_72 = tpu.memref_slice %arg6[%dma_start3A_70, %dma_start3A_71] : memref<1280x64xf32, #tpu.memory_space<vmem>> -> memref<128x64xf32, #tpu.memory_space<vmem>>
    %dma_start3A_73 = arith.constant 0 : i32
    %dma_start3A_74 = tpu.memref_slice %arg4[%add3A_69, %dma_start3A_73] : memref<819200x64xf32, #tpu.memory_space<hbm>> -> memref<128x64xf32, #tpu.memory_space<hbm>>
    %dma_start3A_75 = arith.constant 0 : i32
    %dma_start3A_76 = tpu.memref_slice %arg4[%add3A_69, %dma_start3A_75] : memref<819200x64xf32, #tpu.memory_space<hbm>> -> memref<128x64xf32, #tpu.memory_space<hbm>>
    %dma_start3A_77 = arith.constant 512 : i32
    %dma_start3A_78 = arith.constant 0 : i32
    %dma_start3A_79 = tpu.memref_slice %arg6[%dma_start3A_77, %dma_start3A_78] : memref<1280x64xf32, #tpu.memory_space<vmem>> -> memref<128x64xf32, #tpu.memory_space<vmem>>
    tpu.enqueue_dma source(%dma_start3A_79 : memref<128x64xf32, #tpu.memory_space<vmem>>) target(%dma_start3A_76 : memref<128x64xf32, #tpu.memory_space<hbm>>) target_semaphore(%arg21 : memref<!tpu.dma_semaphore, #tpu.memory_space<semaphore_mem>>)
    %dma_wait3A_80 = arith.constant 640 : i32
    %dma_wait3A_81 = arith.constant 0 : i32
    %dma_wait3A_82 = tpu.memref_slice %arg6[%dma_wait3A_80, %dma_wait3A_81] : memref<1280x64xf32, #tpu.memory_space<vmem>> -> memref<128x64xf32, #tpu.memory_space<vmem>>
    %dma_wait3A_83 = arith.constant 0 : i32
    %dma_wait3A_84 = arith.constant 0 : i32
    %dma_wait3A_85 = tpu.memref_slice %arg3[%dma_wait3A_83, %dma_wait3A_84] : memref<1000000x64xf32, #tpu.memory_space<hbm>> -> memref<128x64xf32, #tpu.memory_space<hbm>>
    %dma_wait3A_86 = arith.constant 640 : i32
    %dma_wait3A_87 = arith.constant 0 : i32
    %dma_wait3A_88 = tpu.memref_slice %arg6[%dma_wait3A_86, %dma_wait3A_87] : memref<1280x64xf32, #tpu.memory_space<vmem>> -> memref<128x64xf32, #tpu.memory_space<vmem>>
    %dma_wait3A_89 = arith.constant 0 : i32
    %dma_wait3A_90 = arith.constant 0 : i32
    %dma_wait3A_91 = tpu.memref_slice %arg3[%dma_wait3A_89, %dma_wait3A_90] : memref<1000000x64xf32, #tpu.memory_space<hbm>> -> memref<128x64xf32, #tpu.memory_space<hbm>>
    tpu.wait_dma2 semaphore(%arg12 : memref<!tpu.dma_semaphore, #tpu.memory_space<semaphore_mem>>) src(%dma_wait3A_91 : memref<128x64xf32, #tpu.memory_space<hbm>>) dst(%dma_wait3A_88 : memref<128x64xf32, #tpu.memory_space<vmem>>)
    %add3A_92 = arith.constant 24960 : i32
    %add3A_93 = arith.addi %mul3A_2, %add3A_92 : i32
    %dma_start3A_94 = arith.constant 640 : i32
    %dma_start3A_95 = arith.constant 0 : i32
    %dma_start3A_96 = tpu.memref_slice %arg6[%dma_start3A_94, %dma_start3A_95] : memref<1280x64xf32, #tpu.memory_space<vmem>> -> memref<128x64xf32, #tpu.memory_space<vmem>>
    %dma_start3A_97 = arith.constant 0 : i32
    %dma_start3A_98 = tpu.memref_slice %arg4[%add3A_93, %dma_start3A_97] : memref<819200x64xf32, #tpu.memory_space<hbm>> -> memref<128x64xf32, #tpu.memory_space<hbm>>
    %dma_start3A_99 = arith.constant 0 : i32
    %dma_start3A_100 = tpu.memref_slice %arg4[%add3A_93, %dma_start3A_99] : memref<819200x64xf32, #tpu.memory_space<hbm>> -> memref<128x64xf32, #tpu.memory_space<hbm>>
    %dma_start3A_101 = arith.constant 640 : i32
    %dma_start3A_102 = arith.constant 0 : i32
    %dma_start3A_103 = tpu.memref_slice %arg6[%dma_start3A_101, %dma_start3A_102] : memref<1280x64xf32, #tpu.memory_space<vmem>> -> memref<128x64xf32, #tpu.memory_space<vmem>>
    tpu.enqueue_dma source(%dma_start3A_103 : memref<128x64xf32, #tpu.memory_space<vmem>>) target(%dma_start3A_100 : memref<128x64xf32, #tpu.memory_space<hbm>>) target_semaphore(%arg22 : memref<!tpu.dma_semaphore, #tpu.memory_space<semaphore_mem>>)
    %dma_wait3A_104 = arith.constant 768 : i32
    %dma_wait3A_105 = arith.constant 0 : i32
    %dma_wait3A_106 = tpu.memref_slice %arg6[%dma_wait3A_104, %dma_wait3A_105] : memref<1280x64xf32, #tpu.memory_space<vmem>> -> memref<128x64xf32, #tpu.memory_space<vmem>>
    %dma_wait3A_107 = arith.constant 0 : i32
    %dma_wait3A_108 = arith.constant 0 : i32
    %dma_wait3A_109 = tpu.memref_slice %arg3[%dma_wait3A_107, %dma_wait3A_108] : memref<1000000x64xf32, #tpu.memory_space<hbm>> -> memref<128x64xf32, #tpu.memory_space<hbm>>
    %dma_wait3A_110 = arith.constant 768 : i32
    %dma_wait3A_111 = arith.constant 0 : i32
    %dma_wait3A_112 = tpu.memref_slice %arg6[%dma_wait3A_110, %dma_wait3A_111] : memref<1280x64xf32, #tpu.memory_space<vmem>> -> memref<128x64xf32, #tpu.memory_space<vmem>>
    %dma_wait3A_113 = arith.constant 0 : i32
    %dma_wait3A_114 = arith.constant 0 : i32
    %dma_wait3A_115 = tpu.memref_slice %arg3[%dma_wait3A_113, %dma_wait3A_114] : memref<1000000x64xf32, #tpu.memory_space<hbm>> -> memref<128x64xf32, #tpu.memory_space<hbm>>
    tpu.wait_dma2 semaphore(%arg13 : memref<!tpu.dma_semaphore, #tpu.memory_space<semaphore_mem>>) src(%dma_wait3A_115 : memref<128x64xf32, #tpu.memory_space<hbm>>) dst(%dma_wait3A_112 : memref<128x64xf32, #tpu.memory_space<vmem>>)
    %add3A_116 = arith.constant 25088 : i32
    %add3A_117 = arith.addi %mul3A_2, %add3A_116 : i32
    %dma_start3A_118 = arith.constant 768 : i32
    %dma_start3A_119 = arith.constant 0 : i32
    %dma_start3A_120 = tpu.memref_slice %arg6[%dma_start3A_118, %dma_start3A_119] : memref<1280x64xf32, #tpu.memory_space<vmem>> -> memref<128x64xf32, #tpu.memory_space<vmem>>
    %dma_start3A_121 = arith.constant 0 : i32
    %dma_start3A_122 = tpu.memref_slice %arg4[%add3A_117, %dma_start3A_121] : memref<819200x64xf32, #tpu.memory_space<hbm>> -> memref<128x64xf32, #tpu.memory_space<hbm>>
    %dma_start3A_123 = arith.constant 0 : i32
    %dma_start3A_124 = tpu.memref_slice %arg4[%add3A_117, %dma_start3A_123] : memref<819200x64xf32, #tpu.memory_space<hbm>> -> memref<128x64xf32, #tpu.memory_space<hbm>>
    %dma_start3A_125 = arith.constant 768 : i32
    %dma_start3A_126 = arith.constant 0 : i32
    %dma_start3A_127 = tpu.memref_slice %arg6[%dma_start3A_125, %dma_start3A_126] : memref<1280x64xf32, #tpu.memory_space<vmem>> -> memref<128x64xf32, #tpu.memory_space<vmem>>
    tpu.enqueue_dma source(%dma_start3A_127 : memref<128x64xf32, #tpu.memory_space<vmem>>) target(%dma_start3A_124 : memref<128x64xf32, #tpu.memory_space<hbm>>) target_semaphore(%arg23 : memref<!tpu.dma_semaphore, #tpu.memory_space<semaphore_mem>>)
    %dma_wait3A_128 = arith.constant 896 : i32
    %dma_wait3A_129 = arith.constant 0 : i32
    %dma_wait3A_130 = tpu.memref_slice %arg6[%dma_wait3A_128, %dma_wait3A_129] : memref<1280x64xf32, #tpu.memory_space<vmem>> -> memref<128x64xf32, #tpu.memory_space<vmem>>
    %dma_wait3A_131 = arith.constant 0 : i32
    %dma_wait3A_132 = arith.constant 0 : i32
    %dma_wait3A_133 = tpu.memref_slice %arg3[%dma_wait3A_131, %dma_wait3A_132] : memref<1000000x64xf32, #tpu.memory_space<hbm>> -> memref<128x64xf32, #tpu.memory_space<hbm>>
    %dma_wait3A_134 = arith.constant 896 : i32
    %dma_wait3A_135 = arith.constant 0 : i32
    %dma_wait3A_136 = tpu.memref_slice %arg6[%dma_wait3A_134, %dma_wait3A_135] : memref<1280x64xf32, #tpu.memory_space<vmem>> -> memref<128x64xf32, #tpu.memory_space<vmem>>
    %dma_wait3A_137 = arith.constant 0 : i32
    %dma_wait3A_138 = arith.constant 0 : i32
    %dma_wait3A_139 = tpu.memref_slice %arg3[%dma_wait3A_137, %dma_wait3A_138] : memref<1000000x64xf32, #tpu.memory_space<hbm>> -> memref<128x64xf32, #tpu.memory_space<hbm>>
    tpu.wait_dma2 semaphore(%arg14 : memref<!tpu.dma_semaphore, #tpu.memory_space<semaphore_mem>>) src(%dma_wait3A_139 : memref<128x64xf32, #tpu.memory_space<hbm>>) dst(%dma_wait3A_136 : memref<128x64xf32, #tpu.memory_space<vmem>>)
    %add3A_140 = arith.constant 25216 : i32
    %add3A_141 = arith.addi %mul3A_2, %add3A_140 : i32
    %dma_start3A_142 = arith.constant 896 : i32
    %dma_start3A_143 = arith.constant 0 : i32
    %dma_start3A_144 = tpu.memref_slice %arg6[%dma_start3A_142, %dma_start3A_143] : memref<1280x64xf32, #tpu.memory_space<vmem>> -> memref<128x64xf32, #tpu.memory_space<vmem>>
    %dma_start3A_145 = arith.constant 0 : i32
    %dma_start3A_146 = tpu.memref_slice %arg4[%add3A_141, %dma_start3A_145] : memref<819200x64xf32, #tpu.memory_space<hbm>> -> memref<128x64xf32, #tpu.memory_space<hbm>>
    %dma_start3A_147 = arith.constant 0 : i32
    %dma_start3A_148 = tpu.memref_slice %arg4[%add3A_141, %dma_start3A_147] : memref<819200x64xf32, #tpu.memory_space<hbm>> -> memref<128x64xf32, #tpu.memory_space<hbm>>
    %dma_start3A_149 = arith.constant 896 : i32
    %dma_start3A_150 = arith.constant 0 : i32
    %dma_start3A_151 = tpu.memref_slice %arg6[%dma_start3A_149, %dma_start3A_150] : memref<1280x64xf32, #tpu.memory_space<vmem>> -> memref<128x64xf32, #tpu.memory_space<vmem>>
    tpu.enqueue_dma source(%dma_start3A_151 : memref<128x64xf32, #tpu.memory_space<vmem>>) target(%dma_start3A_148 : memref<128x64xf32, #tpu.memory_space<hbm>>) target_semaphore(%arg24 : memref<!tpu.dma_semaphore, #tpu.memory_space<semaphore_mem>>)
    %dma_wait3A_152 = arith.constant 1024 : i32
    %dma_wait3A_153 = arith.constant 0 : i32
    %dma_wait3A_154 = tpu.memref_slice %arg6[%dma_wait3A_152, %dma_wait3A_153] : memref<1280x64xf32, #tpu.memory_space<vmem>> -> memref<128x64xf32, #tpu.memory_space<vmem>>
    %dma_wait3A_155 = arith.constant 0 : i32
    %dma_wait3A_156 = arith.constant 0 : i32
    %dma_wait3A_157 = tpu.memref_slice %arg3[%dma_wait3A_155, %dma_wait3A_156] : memref<1000000x64xf32, #tpu.memory_space<hbm>> -> memref<128x64xf32, #tpu.memory_space<hbm>>
    %dma_wait3A_158 = arith.constant 1024 : i32
    %dma_wait3A_159 = arith.constant 0 : i32
    %dma_wait3A_160 = tpu.memref_slice %arg6[%dma_wait3A_158, %dma_wait3A_159] : memref<1280x64xf32, #tpu.memory_space<vmem>> -> memref<128x64xf32, #tpu.memory_space<vmem>>
    %dma_wait3A_161 = arith.constant 0 : i32
    %dma_wait3A_162 = arith.constant 0 : i32
    %dma_wait3A_163 = tpu.memref_slice %arg3[%dma_wait3A_161, %dma_wait3A_162] : memref<1000000x64xf32, #tpu.memory_space<hbm>> -> memref<128x64xf32, #tpu.memory_space<hbm>>
    tpu.wait_dma2 semaphore(%arg15 : memref<!tpu.dma_semaphore, #tpu.memory_space<semaphore_mem>>) src(%dma_wait3A_163 : memref<128x64xf32, #tpu.memory_space<hbm>>) dst(%dma_wait3A_160 : memref<128x64xf32, #tpu.memory_space<vmem>>)
    %add3A_164 = arith.constant 25344 : i32
    %add3A_165 = arith.addi %mul3A_2, %add3A_164 : i32
    %dma_start3A_166 = arith.constant 1024 : i32
    %dma_start3A_167 = arith.constant 0 : i32
    %dma_start3A_168 = tpu.memref_slice %arg6[%dma_start3A_166, %dma_start3A_167] : memref<1280x64xf32, #tpu.memory_space<vmem>> -> memref<128x64xf32, #tpu.memory_space<vmem>>
    %dma_start3A_169 = arith.constant 0 : i32
    %dma_start3A_170 = tpu.memref_slice %arg4[%add3A_165, %dma_start3A_169] : memref<819200x64xf32, #tpu.memory_space<hbm>> -> memref<128x64xf32, #tpu.memory_space<hbm>>
    %dma_start3A_171 = arith.constant 0 : i32
    %dma_start3A_172 = tpu.memref_slice %arg4[%add3A_165, %dma_start3A_171] : memref<819200x64xf32, #tpu.memory_space<hbm>> -> memref<128x64xf32, #tpu.memory_space<hbm>>
    %dma_start3A_173 = arith.constant 1024 : i32
    %dma_start3A_174 = arith.constant 0 : i32
    %dma_start3A_175 = tpu.memref_slice %arg6[%dma_start3A_173, %dma_start3A_174] : memref<1280x64xf32, #tpu.memory_space<vmem>> -> memref<128x64xf32, #tpu.memory_space<vmem>>
    tpu.enqueue_dma source(%dma_start3A_175 : memref<128x64xf32, #tpu.memory_space<vmem>>) target(%dma_start3A_172 : memref<128x64xf32, #tpu.memory_space<hbm>>) target_semaphore(%arg25 : memref<!tpu.dma_semaphore, #tpu.memory_space<semaphore_mem>>)
    %dma_wait3A_176 = arith.constant 1152 : i32
    %dma_wait3A_177 = arith.constant 0 : i32
    %dma_wait3A_178 = tpu.memref_slice %arg6[%dma_wait3A_176, %dma_wait3A_177] : memref<1280x64xf32, #tpu.memory_space<vmem>> -> memref<128x64xf32, #tpu.memory_space<vmem>>
    %dma_wait3A_179 = arith.constant 0 : i32
    %dma_wait3A_180 = arith.constant 0 : i32
    %dma_wait3A_181 = tpu.memref_slice %arg3[%dma_wait3A_179, %dma_wait3A_180] : memref<1000000x64xf32, #tpu.memory_space<hbm>> -> memref<128x64xf32, #tpu.memory_space<hbm>>
    %dma_wait3A_182 = arith.constant 1152 : i32
    %dma_wait3A_183 = arith.constant 0 : i32
    %dma_wait3A_184 = tpu.memref_slice %arg6[%dma_wait3A_182, %dma_wait3A_183] : memref<1280x64xf32, #tpu.memory_space<vmem>> -> memref<128x64xf32, #tpu.memory_space<vmem>>
    %dma_wait3A_185 = arith.constant 0 : i32
    %dma_wait3A_186 = arith.constant 0 : i32
    %dma_wait3A_187 = tpu.memref_slice %arg3[%dma_wait3A_185, %dma_wait3A_186] : memref<1000000x64xf32, #tpu.memory_space<hbm>> -> memref<128x64xf32, #tpu.memory_space<hbm>>
    tpu.wait_dma2 semaphore(%arg16 : memref<!tpu.dma_semaphore, #tpu.memory_space<semaphore_mem>>) src(%dma_wait3A_187 : memref<128x64xf32, #tpu.memory_space<hbm>>) dst(%dma_wait3A_184 : memref<128x64xf32, #tpu.memory_space<vmem>>)
    %add3A_188 = arith.constant 25472 : i32
    %add3A_189 = arith.addi %mul3A_2, %add3A_188 : i32
    %dma_start3A_190 = arith.constant 1152 : i32
    %dma_start3A_191 = arith.constant 0 : i32
    %dma_start3A_192 = tpu.memref_slice %arg6[%dma_start3A_190, %dma_start3A_191] : memref<1280x64xf32, #tpu.memory_space<vmem>> -> memref<128x64xf32, #tpu.memory_space<vmem>>
    %dma_start3A_193 = arith.constant 0 : i32
    %dma_start3A_194 = tpu.memref_slice %arg4[%add3A_189, %dma_start3A_193] : memref<819200x64xf32, #tpu.memory_space<hbm>> -> memref<128x64xf32, #tpu.memory_space<hbm>>
    %dma_start3A_195 = arith.constant 0 : i32
    %dma_start3A_196 = tpu.memref_slice %arg4[%add3A_189, %dma_start3A_195] : memref<819200x64xf32, #tpu.memory_space<hbm>> -> memref<128x64xf32, #tpu.memory_space<hbm>>
    %dma_start3A_197 = arith.constant 1152 : i32
    %dma_start3A_198 = arith.constant 0 : i32
    %dma_start3A_199 = tpu.memref_slice %arg6[%dma_start3A_197, %dma_start3A_198] : memref<1280x64xf32, #tpu.memory_space<vmem>> -> memref<128x64xf32, #tpu.memory_space<vmem>>
    tpu.enqueue_dma source(%dma_start3A_199 : memref<128x64xf32, #tpu.memory_space<vmem>>) target(%dma_start3A_196 : memref<128x64xf32, #tpu.memory_space<hbm>>) target_semaphore(%arg26 : memref<!tpu.dma_semaphore, #tpu.memory_space<semaphore_mem>>)
    %dma_wait3A_200 = arith.constant 0 : i32
    %dma_wait3A_201 = arith.constant 0 : i32
    %dma_wait3A_202 = tpu.memref_slice %arg6[%dma_wait3A_200, %dma_wait3A_201] : memref<1280x64xf32, #tpu.memory_space<vmem>> -> memref<128x64xf32, #tpu.memory_space<vmem>>
    %dma_wait3A_203 = arith.constant 0 : i32
    %dma_wait3A_204 = tpu.memref_slice %arg4[%mul3A_2, %dma_wait3A_203] : memref<819200x64xf32, #tpu.memory_space<hbm>> -> memref<128x64xf32, #tpu.memory_space<hbm>>
    %dma_wait3A_205 = arith.constant 0 : i32
    %dma_wait3A_206 = tpu.memref_slice %arg4[%mul3A_2, %dma_wait3A_205] : memref<819200x64xf32, #tpu.memory_space<hbm>> -> memref<128x64xf32, #tpu.memory_space<hbm>>
    %dma_wait3A_207 = arith.constant 0 : i32
    %dma_wait3A_208 = arith.constant 0 : i32
    %dma_wait3A_209 = tpu.memref_slice %arg6[%dma_wait3A_207, %dma_wait3A_208] : memref<1280x64xf32, #tpu.memory_space<vmem>> -> memref<128x64xf32, #tpu.memory_space<vmem>>
    tpu.wait_dma2 semaphore(%arg17 : memref<!tpu.dma_semaphore, #tpu.memory_space<semaphore_mem>>) src(%dma_wait3A_209 : memref<128x64xf32, #tpu.memory_space<vmem>>) dst(%dma_wait3A_206 : memref<128x64xf32, #tpu.memory_space<hbm>>)
    %dma_wait3A_210 = arith.constant 128 : i32
    %dma_wait3A_211 = arith.constant 0 : i32
    %dma_wait3A_212 = tpu.memref_slice %arg6[%dma_wait3A_210, %dma_wait3A_211] : memref<1280x64xf32, #tpu.memory_space<vmem>> -> memref<128x64xf32, #tpu.memory_space<vmem>>
    %dma_wait3A_213 = arith.constant 0 : i32
    %dma_wait3A_214 = tpu.memref_slice %arg4[%mul3A_2, %dma_wait3A_213] : memref<819200x64xf32, #tpu.memory_space<hbm>> -> memref<128x64xf32, #tpu.memory_space<hbm>>
    %dma_wait3A_215 = arith.constant 0 : i32
    %dma_wait3A_216 = tpu.memref_slice %arg4[%mul3A_2, %dma_wait3A_215] : memref<819200x64xf32, #tpu.memory_space<hbm>> -> memref<128x64xf32, #tpu.memory_space<hbm>>
    %dma_wait3A_217 = arith.constant 128 : i32
    %dma_wait3A_218 = arith.constant 0 : i32
    %dma_wait3A_219 = tpu.memref_slice %arg6[%dma_wait3A_217, %dma_wait3A_218] : memref<1280x64xf32, #tpu.memory_space<vmem>> -> memref<128x64xf32, #tpu.memory_space<vmem>>
    tpu.wait_dma2 semaphore(%arg18 : memref<!tpu.dma_semaphore, #tpu.memory_space<semaphore_mem>>) src(%dma_wait3A_219 : memref<128x64xf32, #tpu.memory_space<vmem>>) dst(%dma_wait3A_216 : memref<128x64xf32, #tpu.memory_space<hbm>>)
    %dma_wait3A_220 = arith.constant 256 : i32
    %dma_wait3A_221 = arith.constant 0 : i32
    %dma_wait3A_222 = tpu.memref_slice %arg6[%dma_wait3A_220, %dma_wait3A_221] : memref<1280x64xf32, #tpu.memory_space<vmem>> -> memref<128x64xf32, #tpu.memory_space<vmem>>
    %dma_wait3A_223 = arith.constant 0 : i32
    %dma_wait3A_224 = tpu.memref_slice %arg4[%mul3A_2, %dma_wait3A_223] : memref<819200x64xf32, #tpu.memory_space<hbm>> -> memref<128x64xf32, #tpu.memory_space<hbm>>
    %dma_wait3A_225 = arith.constant 0 : i32
    %dma_wait3A_226 = tpu.memref_slice %arg4[%mul3A_2, %dma_wait3A_225] : memref<819200x64xf32, #tpu.memory_space<hbm>> -> memref<128x64xf32, #tpu.memory_space<hbm>>
    %dma_wait3A_227 = arith.constant 256 : i32
    %dma_wait3A_228 = arith.constant 0 : i32
    %dma_wait3A_229 = tpu.memref_slice %arg6[%dma_wait3A_227, %dma_wait3A_228] : memref<1280x64xf32, #tpu.memory_space<vmem>> -> memref<128x64xf32, #tpu.memory_space<vmem>>
    tpu.wait_dma2 semaphore(%arg19 : memref<!tpu.dma_semaphore, #tpu.memory_space<semaphore_mem>>) src(%dma_wait3A_229 : memref<128x64xf32, #tpu.memory_space<vmem>>) dst(%dma_wait3A_226 : memref<128x64xf32, #tpu.memory_space<hbm>>)
    %dma_wait3A_230 = arith.constant 384 : i32
    %dma_wait3A_231 = arith.constant 0 : i32
    %dma_wait3A_232 = tpu.memref_slice %arg6[%dma_wait3A_230, %dma_wait3A_231] : memref<1280x64xf32, #tpu.memory_space<vmem>> -> memref<128x64xf32, #tpu.memory_space<vmem>>
    %dma_wait3A_233 = arith.constant 0 : i32
    %dma_wait3A_234 = tpu.memref_slice %arg4[%mul3A_2, %dma_wait3A_233] : memref<819200x64xf32, #tpu.memory_space<hbm>> -> memref<128x64xf32, #tpu.memory_space<hbm>>
    %dma_wait3A_235 = arith.constant 0 : i32
    %dma_wait3A_236 = tpu.memref_slice %arg4[%mul3A_2, %dma_wait3A_235] : memref<819200x64xf32, #tpu.memory_space<hbm>> -> memref<128x64xf32, #tpu.memory_space<hbm>>
    %dma_wait3A_237 = arith.constant 384 : i32
    %dma_wait3A_238 = arith.constant 0 : i32
    %dma_wait3A_239 = tpu.memref_slice %arg6[%dma_wait3A_237, %dma_wait3A_238] : memref<1280x64xf32, #tpu.memory_space<vmem>> -> memref<128x64xf32, #tpu.memory_space<vmem>>
    tpu.wait_dma2 semaphore(%arg20 : memref<!tpu.dma_semaphore, #tpu.memory_space<semaphore_mem>>) src(%dma_wait3A_239 : memref<128x64xf32, #tpu.memory_space<vmem>>) dst(%dma_wait3A_236 : memref<128x64xf32, #tpu.memory_space<hbm>>)
    %dma_wait3A_240 = arith.constant 512 : i32
    %dma_wait3A_241 = arith.constant 0 : i32
    %dma_wait3A_242 = tpu.memref_slice %arg6[%dma_wait3A_240, %dma_wait3A_241] : memref<1280x64xf32, #tpu.memory_space<vmem>> -> memref<128x64xf32, #tpu.memory_space<vmem>>
    %dma_wait3A_243 = arith.constant 0 : i32
    %dma_wait3A_244 = tpu.memref_slice %arg4[%mul3A_2, %dma_wait3A_243] : memref<819200x64xf32, #tpu.memory_space<hbm>> -> memref<128x64xf32, #tpu.memory_space<hbm>>
    %dma_wait3A_245 = arith.constant 0 : i32
    %dma_wait3A_246 = tpu.memref_slice %arg4[%mul3A_2, %dma_wait3A_245] : memref<819200x64xf32, #tpu.memory_space<hbm>> -> memref<128x64xf32, #tpu.memory_space<hbm>>
    %dma_wait3A_247 = arith.constant 512 : i32
    %dma_wait3A_248 = arith.constant 0 : i32
    %dma_wait3A_249 = tpu.memref_slice %arg6[%dma_wait3A_247, %dma_wait3A_248] : memref<1280x64xf32, #tpu.memory_space<vmem>> -> memref<128x64xf32, #tpu.memory_space<vmem>>
    tpu.wait_dma2 semaphore(%arg21 : memref<!tpu.dma_semaphore, #tpu.memory_space<semaphore_mem>>) src(%dma_wait3A_249 : memref<128x64xf32, #tpu.memory_space<vmem>>) dst(%dma_wait3A_246 : memref<128x64xf32, #tpu.memory_space<hbm>>)
    %dma_wait3A_250 = arith.constant 640 : i32
    %dma_wait3A_251 = arith.constant 0 : i32
    %dma_wait3A_252 = tpu.memref_slice %arg6[%dma_wait3A_250, %dma_wait3A_251] : memref<1280x64xf32, #tpu.memory_space<vmem>> -> memref<128x64xf32, #tpu.memory_space<vmem>>
    %dma_wait3A_253 = arith.constant 0 : i32
    %dma_wait3A_254 = tpu.memref_slice %arg4[%mul3A_2, %dma_wait3A_253] : memref<819200x64xf32, #tpu.memory_space<hbm>> -> memref<128x64xf32, #tpu.memory_space<hbm>>
    %dma_wait3A_255 = arith.constant 0 : i32
    %dma_wait3A_256 = tpu.memref_slice %arg4[%mul3A_2, %dma_wait3A_255] : memref<819200x64xf32, #tpu.memory_space<hbm>> -> memref<128x64xf32, #tpu.memory_space<hbm>>
    %dma_wait3A_257 = arith.constant 640 : i32
    %dma_wait3A_258 = arith.constant 0 : i32
    %dma_wait3A_259 = tpu.memref_slice %arg6[%dma_wait3A_257, %dma_wait3A_258] : memref<1280x64xf32, #tpu.memory_space<vmem>> -> memref<128x64xf32, #tpu.memory_space<vmem>>
    tpu.wait_dma2 semaphore(%arg22 : memref<!tpu.dma_semaphore, #tpu.memory_space<semaphore_mem>>) src(%dma_wait3A_259 : memref<128x64xf32, #tpu.memory_space<vmem>>) dst(%dma_wait3A_256 : memref<128x64xf32, #tpu.memory_space<hbm>>)
    %dma_wait3A_260 = arith.constant 768 : i32
    %dma_wait3A_261 = arith.constant 0 : i32
    %dma_wait3A_262 = tpu.memref_slice %arg6[%dma_wait3A_260, %dma_wait3A_261] : memref<1280x64xf32, #tpu.memory_space<vmem>> -> memref<128x64xf32, #tpu.memory_space<vmem>>
    %dma_wait3A_263 = arith.constant 0 : i32
    %dma_wait3A_264 = tpu.memref_slice %arg4[%mul3A_2, %dma_wait3A_263] : memref<819200x64xf32, #tpu.memory_space<hbm>> -> memref<128x64xf32, #tpu.memory_space<hbm>>
    %dma_wait3A_265 = arith.constant 0 : i32
    %dma_wait3A_266 = tpu.memref_slice %arg4[%mul3A_2, %dma_wait3A_265] : memref<819200x64xf32, #tpu.memory_space<hbm>> -> memref<128x64xf32, #tpu.memory_space<hbm>>
    %dma_wait3A_267 = arith.constant 768 : i32
    %dma_wait3A_268 = arith.constant 0 : i32
    %dma_wait3A_269 = tpu.memref_slice %arg6[%dma_wait3A_267, %dma_wait3A_268] : memref<1280x64xf32, #tpu.memory_space<vmem>> -> memref<128x64xf32, #tpu.memory_space<vmem>>
    tpu.wait_dma2 semaphore(%arg23 : memref<!tpu.dma_semaphore, #tpu.memory_space<semaphore_mem>>) src(%dma_wait3A_269 : memref<128x64xf32, #tpu.memory_space<vmem>>) dst(%dma_wait3A_266 : memref<128x64xf32, #tpu.memory_space<hbm>>)
    %dma_wait3A_270 = arith.constant 896 : i32
    %dma_wait3A_271 = arith.constant 0 : i32
    %dma_wait3A_272 = tpu.memref_slice %arg6[%dma_wait3A_270, %dma_wait3A_271] : memref<1280x64xf32, #tpu.memory_space<vmem>> -> memref<128x64xf32, #tpu.memory_space<vmem>>
    %dma_wait3A_273 = arith.constant 0 : i32
    %dma_wait3A_274 = tpu.memref_slice %arg4[%mul3A_2, %dma_wait3A_273] : memref<819200x64xf32, #tpu.memory_space<hbm>> -> memref<128x64xf32, #tpu.memory_space<hbm>>
    %dma_wait3A_275 = arith.constant 0 : i32
    %dma_wait3A_276 = tpu.memref_slice %arg4[%mul3A_2, %dma_wait3A_275] : memref<819200x64xf32, #tpu.memory_space<hbm>> -> memref<128x64xf32, #tpu.memory_space<hbm>>
    %dma_wait3A_277 = arith.constant 896 : i32
    %dma_wait3A_278 = arith.constant 0 : i32
    %dma_wait3A_279 = tpu.memref_slice %arg6[%dma_wait3A_277, %dma_wait3A_278] : memref<1280x64xf32, #tpu.memory_space<vmem>> -> memref<128x64xf32, #tpu.memory_space<vmem>>
    tpu.wait_dma2 semaphore(%arg24 : memref<!tpu.dma_semaphore, #tpu.memory_space<semaphore_mem>>) src(%dma_wait3A_279 : memref<128x64xf32, #tpu.memory_space<vmem>>) dst(%dma_wait3A_276 : memref<128x64xf32, #tpu.memory_space<hbm>>)
    %dma_wait3A_280 = arith.constant 1024 : i32
    %dma_wait3A_281 = arith.constant 0 : i32
    %dma_wait3A_282 = tpu.memref_slice %arg6[%dma_wait3A_280, %dma_wait3A_281] : memref<1280x64xf32, #tpu.memory_space<vmem>> -> memref<128x64xf32, #tpu.memory_space<vmem>>
    %dma_wait3A_283 = arith.constant 0 : i32
    %dma_wait3A_284 = tpu.memref_slice %arg4[%mul3A_2, %dma_wait3A_283] : memref<819200x64xf32, #tpu.memory_space<hbm>> -> memref<128x64xf32, #tpu.memory_space<hbm>>
    %dma_wait3A_285 = arith.constant 0 : i32
    %dma_wait3A_286 = tpu.memref_slice %arg4[%mul3A_2, %dma_wait3A_285] : memref<819200x64xf32, #tpu.memory_space<hbm>> -> memref<128x64xf32, #tpu.memory_space<hbm>>
    %dma_wait3A_287 = arith.constant 1024 : i32
    %dma_wait3A_288 = arith.constant 0 : i32
    %dma_wait3A_289 = tpu.memref_slice %arg6[%dma_wait3A_287, %dma_wait3A_288] : memref<1280x64xf32, #tpu.memory_space<vmem>> -> memref<128x64xf32, #tpu.memory_space<vmem>>
    tpu.wait_dma2 semaphore(%arg25 : memref<!tpu.dma_semaphore, #tpu.memory_space<semaphore_mem>>) src(%dma_wait3A_289 : memref<128x64xf32, #tpu.memory_space<vmem>>) dst(%dma_wait3A_286 : memref<128x64xf32, #tpu.memory_space<hbm>>)
    %dma_wait3A_290 = arith.constant 1152 : i32
    %dma_wait3A_291 = arith.constant 0 : i32
    %dma_wait3A_292 = tpu.memref_slice %arg6[%dma_wait3A_290, %dma_wait3A_291] : memref<1280x64xf32, #tpu.memory_space<vmem>> -> memref<128x64xf32, #tpu.memory_space<vmem>>
    %dma_wait3A_293 = arith.constant 0 : i32
    %dma_wait3A_294 = tpu.memref_slice %arg4[%mul3A_2, %dma_wait3A_293] : memref<819200x64xf32, #tpu.memory_space<hbm>> -> memref<128x64xf32, #tpu.memory_space<hbm>>
    %dma_wait3A_295 = arith.constant 0 : i32
    %dma_wait3A_296 = tpu.memref_slice %arg4[%mul3A_2, %dma_wait3A_295] : memref<819200x64xf32, #tpu.memory_space<hbm>> -> memref<128x64xf32, #tpu.memory_space<hbm>>
    %dma_wait3A_297 = arith.constant 1152 : i32
    %dma_wait3A_298 = arith.constant 0 : i32
    %dma_wait3A_299 = tpu.memref_slice %arg6[%dma_wait3A_297, %dma_wait3A_298] : memref<1280x64xf32, #tpu.memory_space<vmem>> -> memref<128x64xf32, #tpu.memory_space<vmem>>
    tpu.wait_dma2 semaphore(%arg26 : memref<!tpu.dma_semaphore, #tpu.memory_space<semaphore_mem>>) src(%dma_wait3A_299 : memref<128x64xf32, #tpu.memory_space<vmem>>) dst(%dma_wait3A_296 : memref<128x64xf32, #tpu.memory_space<hbm>>)
    return
  }
}

</mosaic_0001>

<sc_bundles>
// kernel: kernel.3.cloned.1.call-start
scs
__scs_entry_jumppad:
0x0: {  	(pc) =	sbr.rel $0x88, $3  }
0x1: {  	(tag) =	ssettag $0x0;
	lr =	simm.s32 $0x1  }
0x2: {  	[smem:$0x3F9F] =	sst lr;
	_ =	strace $0xD0000000  }
0x3: {  	_ = 	snop  }
0x4: {  	_ = 	snop  }
0x5: {  	_ = 	snop  }
0x6: {  	_ = 	snop  }
0x7: {  	_ = 	snop  }
__scs_overlays_trampoline_lowered:
0x8: {  	[smem:$0x3FAE] =	sst s0  }
0x9: {  	[smem:$0x3FAF] =	sst s1  }
0xa: {  	[smem:$0x3FB0] =	sst s2  }
0xb: {  	[smem:$0x3FB1] =	sst s3  }
0xc: {  	[smem:$0x3FB2] =	sst s4  }
0xd: {  	[smem:$0x3FB3] =	sst s5  }
0xe: {  	[smem:$0x3FB4] =	sst s6  }
0xf: {  	[smem:$0x3FB5] =	sst s7  }
0x10: {  	[smem:$0x3FB6] =	sst s8  }
0x11: {  	[smem:$0x3FB7] =	sst s9;
	s0 =	simm.s32 @!p0 $0x0  }
0x12: {  	s1 =	sld [smem:$0x3F9D];
	s0 =	simm.s32 @p0 $0x1  }
0x13: {  	[smem:$0x3FB8] =	sst s0;
	s0 =	simm.s32 @!p1 $0x0  }
0x14: {  	s2 =	sld [smem:$0x3F9C];
	s0 =	simm.s32 @p1 $0x1  }
0x15: {  	[smem:$0x3FB9] =	sst s0;
	s0 =	simm.s32 @!p2 $0x0  }
0x16: {  	s3 =	sld [smem:$0x3FDB];
	s0 =	simm.s32 @p2 $0x1  }
0x17: {  	s4 =	simm.s32 $0x1BF5;
	[smem:$0x3FBB] =	sst s0  }
0x18: {  	s0 =	sld [smem:$0x3F9E];
	_ =	swait.ge [sflag:s4], $0x0  }
0x19: {  	s7 =	sld [smem:$0x3F9F]  }
0x1a: {  	s8 =	sadd.s32 $0xFFFFE003, lr  }
0x1b: {  	s9 =	sadd.s32 $0xFFFFFEF7, lr;
	s5 =	simm.s32 $0xFFFFFFFF;
	p2 =	slt.u32 s8, $0xFFFFF086  }
0x1c: {  	p1 =	slt.u32 s9, $0xF7A;
	s5 =	simm.s32 @!p2 $0x0  }
0x1d: {  	s5 =	simm.s32 @p1 $0x1;
	p0 =	seq.s32 s7, s2  }
0x1e: {  	s7 =	smul.u32 @!p0 $0xF7A, s2;
	p2 =	seq.s32 @!p0 s5, $0x0  }
0x1f: {  	s9 =	smul.u32 $0xF7A, s1;
	s8 =	simm.s32 @!p0 $0x1BF5;
	p2 =	por !p2, p0  }
0x20: {  	[sflag:s8] =	ssyncset.s32 @!p0 $0xFFFFF086;
	s6 =	sadd.s32 @!p0 s3, s7;
	s7 =	simm.s32 @!p0 $0x108  }
0x21: {  	s3 =	sadd.s32 s3, s9;
	s6 =	sadd.s32 @!p0 $0x88, s6;
	s7 =	simm.s32 @p2 $0x1082  }
0x22: {  	[simem:s7], [sflag:s8] =	dma.local @!p0 [hbm:s6], $0xF7A  }
0x23: {  	s9 =	sor.u32 $0xD0000000, s2;
	s6 =	simm.s32 $0x108;
	_ =	swait.ge @!p0 [sflag:s8], $0x0  }
0x24: {  	s3 =	sadd.s32 $0x88, s3;
	s6 =	simm.s32 @!p1 $0x1082;
	[sflag:s4] =	ssyncset.s32 $0xFFFFF086  }
0x25: {  	[simem:s6], [sflag:s4] =	dma.local [hbm:s3], $0xF7A  }
0x26: {  	[smem:$0x3F9F] =	sst s1;
	(tag) =	ssettag s2;
	_ =	strace s9  }
0x27: {  	s1 =	sld [smem:$0x3FAF]  }
0x28: {  	s2 =	sld [smem:$0x3FB0]  }
0x29: {  	s4 =	sld [smem:$0x3FB2]  }
0x2a: {  	p0 =	seq.s32 s5, $0x0;
	s5 =	sld [smem:$0x3FB3]  }
0x2b: {  	s6 =	sld [smem:$0x3FB4]  }
0x2c: {  	s7 =	sld [smem:$0x3FB5]  }
0x2d: {  	s3 =	simm.s32 $0x108;
	s8 =	sld [smem:$0x3FB6]  }
0x2e: {  	s3 =	simm.s32 @!p0 $0x1082;
	s9 =	sld [smem:$0x3FB7]  }
0x2f: {  	lr =	sadd.s32 s0, s3;
	s0 =	sld [smem:$0x3FAE]  }
0x30: {  	s3 =	sld [smem:$0x3FB1]  }
0x31: {  	[smem:$0x3FBA] =	sst s10  }
0x32: {  	s10 =	sld [smem:$0x3FB8];
	_ =	sdelay $0x3  }
0x33: {  	p0 =	seq.s32 s10, $0x1;
	s10 =	sld [smem:$0x3FBA];
	_ =	sdelay $0x3  }
0x34: {  	[smem:$0x3FBA] =	sst s10  }
0x35: {  	s10 =	sld [smem:$0x3FB9];
	_ =	sdelay $0x3  }
0x36: {  	p1 =	seq.s32 s10, $0x1;
	s10 =	sld [smem:$0x3FBA];
	_ =	sdelay $0x3  }
0x37: {  	[smem:$0x3FBA] =	sst s10  }
0x38: {  	s10 =	sld [smem:$0x3FBB]  }
0x39: {  	_ = 	snop;
	(pc) =	sbr.ind lr, $3  }
0x3a: {  	_ = 	snop  }
0x3b: {  	_ = 	snop  }
0x3c: {  	p2 =	seq.s32 s10, $0x1;
	s10 =	sld [smem:$0x3FBA]  }
0x3d: {  	_ =	shalt  }
0x3e: {  	_ =	shalt  }
0x3f: {  	_ =	shalt  }
0x40: {  	_ =	shalt  }
0x41: {  	_ =	shalt  }
0x42: {  	_ =	shalt  }
0x43: {  	_ =	shalt  }
0x44: {  	_ =	shalt  }
0x45: {  	_ =	shalt  }
0x46: {  	_ =	shalt  }
0x47: {  	_ =	shalt  }
0x48: {  	_ =	shalt  }
0x49: {  	_ =	shalt  }
0x4a: {  	_ =	shalt  }
0x4b: {  	_ =	shalt  }
0x4c: {  	_ =	shalt  }
0x4d: {  	_ =	shalt  }
0x4e: {  	_ =	shalt  }
0x4f: {  	_ =	shalt  }
0x50: {  	_ =	shalt  }
0x51: {  	_ =	shalt  }
0x52: {  	_ =	shalt  }
0x53: {  	_ =	shalt  }
0x54: {  	_ =	shalt  }
0x55: {  	_ =	shalt  }
0x56: {  	_ =	shalt  }
0x57: {  	_ =	shalt  }
0x58: {  	_ =	shalt  }
0x59: {  	_ =	shalt  }
0x5a: {  	_ =	shalt  }
0x5b: {  	_ =	shalt  }
0x5c: {  	_ =	shalt  }
0x5d: {  	_ =	shalt  }
0x5e: {  	_ =	shalt  }
0x5f: {  	_ =	shalt  }
0x60: {  	_ =	shalt  }
0x61: {  	_ =	shalt  }
0x62: {  	_ =	shalt  }
0x63: {  	_ =	shalt  }
0x64: {  	_ =	shalt  }
0x65: {  	_ =	shalt  }
0x66: {  	_ =	shalt  }
0x67: {  	_ =	shalt  }
0x68: {  	_ =	shalt  }
0x69: {  	_ =	shalt  }
0x6a: {  	_ =	shalt  }
0x6b: {  	_ =	shalt  }
0x6c: {  	_ =	shalt  }
0x6d: {  	_ =	shalt  }
0x6e: {  	_ =	shalt  }
0x6f: {  	_ =	shalt  }
0x70: {  	_ =	shalt  }
0x71: {  	_ =	shalt  }
0x72: {  	_ =	shalt  }
0x73: {  	_ =	shalt  }
0x74: {  	_ =	shalt  }
0x75: {  	_ =	shalt  }
0x76: {  	_ =	shalt  }
0x77: {  	_ =	shalt  }
0x78: {  	_ =	shalt  }
0x79: {  	_ =	shalt  }
0x7a: {  	_ =	shalt  }
0x7b: {  	_ =	shalt  }
0x7c: {  	_ =	shalt  }
0x7d: {  	_ =	shalt  }
0x7e: {  	_ =	shalt  }
0x7f: {  	_ =	shalt  }
0x80: {  	_ =	shalt  }
0x81: {  	_ =	shalt  }
0x82: {  	_ =	shalt  }
0x83: {  	_ =	shalt  }
0x84: {  	_ =	shalt  }
0x85: {  	_ =	shalt  }
0x86: {  	_ =	shalt  }
0x87: {  	_ =	shalt  }
.Lfunc_end0:
.L_simem_size_0:
called_computation.1_lowered:
.L_overlay_start_0:
0x88: {  	s2 =	sld [smem:$0x3FD9]  }
0x89: {  	s3 =	sld [smem:$0x3FFE];
	_ =	sdelay $0x1  }
0x8a: {  	s1 =	srdreg.scid  }
0x8b: {  	s0 =	sand.u32 $0x1, s1  }
0x8c: {  	s17 =	sshll.u32 s0, $0xA;
	s2 =	sadd.s32 s3, s2  }
0x8d: {  	s2 =	sadd.s32 s2, s17  }
0x8e: {  	[smem:$0x3FC6] =	sst s2  }
0x8f: {  	_ = 	snop  }
0x90: {  	s2 =	sld [smem:$0x3FD0];
	(tm) =	ssettm $0x1  }
0x91: {  	s18 =	sld [smem:$0x3FFB];
	_ =	sdelay $0x3  }
0x92: {  	_ =	strace s18  }
0x93: {  	s3 =	sld [smem:$0x3FFC];
	_ =	sdelay $0x3  }
0x94: {  	_ =	strace s3  }
0x95: {  	s3 =	sld [smem:$0x3FFD];
	_ =	sdelay $0x3  }
0x96: {  	_ =	strace s3  }
0x97: {  	_ =	strace $0x8FFFFFFF  }
0x98: {  	s19 =	sld [smem:$0x3FDB];
	_ =	sdelay $0x1  }
0x99: {  	s4 =	simm.s32 $_scs_section_size  }
0x9a: {  	s5 =	simm.s32 $_size__tile_overlayer_lowered;
	s6 =	simm.s32 $_tile_overlayer_lowered  }
0x9b: {  	s22 =	simm.s32 $0x1BFF;
	s21 =	sshll.u32 s6, $0x1;
	s3 =	sadd.s32 s4, s19  }
0x9c: {  	s7 =	simm.s32 $0x0;
	s20 =	sshll.u32 s5, $0x1;
	s5 =	sadd.s32 s21, s3  }
0x9d: {  	[timem:s7], [sflag:s22] =	dma.local [hbm:s5], s20  }
0x9e: {  	_ =	swait.ge [sflag:s22], s20  }
0x9f: {  	s4 =	ssub.s32 $0x0, s20;
	[sflag:s22] =	ssyncset.done $0x0  }
0xa0: {  	[sflag:s22] =	ssyncadd.s32 s4;
	_ =	sdelay $0x1  }
0xa1: {  	s23 =	simm.s32 $0x1B8B  }
0xa2: {  	_ =	swait.ge [sflag:s23], $0x1  }
0xa3: {  	[sflag:s23] =	ssyncset.done $0x0  }
0xa4: {  	s25 =	simm.s32 $0x1B8E;
	s24 =	sld [smem:$0x3FFE];
	[sflag:s23] =	ssyncadd.s32 $0xFFFFFFFF  }
0xa5: {  	s26 =	simm.s32 $execute0_lowered;
	[smem:$0x3FD2] =	sst s25  }
0xa6: {  	s5 =	sshll.u32 s26, $0x1;
	_ =	strace $0x80000046;
	[dreg:$0x1] =	wrdreg $0xFFFFFFFF  }
0xa7: {  	s28 =	simm.s32 $_size_execute0_lowered;
	s3 =	sadd.s32 s3, s5;
	[dreg:$0x0] =	wrdreg $0x0  }
0xa8: {  	s5 =	sshll.u32 s28, $0x1;
	[dreg:$0x2] =	wrdreg s3  }
0xa9: {  	[dreg:$0x3] =	wrdreg s5  }
0xaa: {  	[dreg:$0x4] =	wrdreg $0xC0  }
0xab: {  	_ =	task [dreg:s7], $0x5FFFF  }
0xac: {  	[dreg:$0x1] =	wrdreg $0xFFFFFFFF  }
0xad: {  	[dreg:$0x0] =	wrdreg $0x60  }
0xae: {  	[dreg:$0x2] =	wrdreg s24  }
0xaf: {  	[dreg:$0x3] =	wrdreg s2  }
0xb0: {  	[dreg:$0x4] =	wrdreg $0x9  }
0xb1: {  	_ =	task.clear_ibuf [dreg:s7], $0x5FFFF;
	_ =	strace $0x90000046  }
0xb2: {  	s29 =	simm.s32 $0x9;
	_ =	strace $0x80000048  }
0xb3: {  	_ =	swait.ge [sflag:s29], $0x1  }
0xb4: {  	[sflag:s29] =	ssyncadd.s32 $0xFFFFFFFF  }
0xb5: {  	_ =	strace $0x90000048  }
0xb6: {  	_ =	sfence  }
0xb7: {  	s30 =	sld [smem:$0x0];
	_ =	sdelay $0x2  }
0xb8: {  	s31 =	sshll.u32 s1, $0xD;
	s1 =	sshrl.u32 s1, $0x2  }
0xb9: {  	s3 =	sand.u32 $0x4000, s31;
	s1 =	sadd.s32 s1, s30  }
0xba: {  	s0 =	sor.u32 s3, s0;
	s1 =	sshll.u32 s1, $0x11  }
0xbb: {  	s0 =	sor.u32 s1, s0  }
0xbc: {  	s0 =	sadd.s32 $0x8F2B, s0  }
0xbd: {  	[sflag:s0] =	ssyncadd.remote.s32 $0x1  }
0xbe: {  	_ =	sfence.sel $0xFFFF  }
0xbf: {  	[dreg:$0x0] =	wrdreg $0xFFFFFFFF;
	(pc) =	sbr.abs _section_cstart, $3  }
0xc0: {  	[dreg:$0x1] =	wrdreg $0xFFFFFFFF  }
0xc1: {  	_ =	task.clear_ibuf [dreg:s7], $0x2FFFF;
	_ =	strace $0x9FFFFFFF  }
0xc2: {  	(tm) =	ssettm $0x7FFFFFFF  }
0xc3: {  	_ =	shalt  }
tec
execute0_lowered:
.L_overlay_start_1:
0x0: {  	(tag) =	ssettag $0x1  }
0x1: {  	s0 =	srdreg.scid;
	s1 =	rddreg [dreg:$0x0]  }
0x2: {  	s10 =	stileid.u32;
	s2 =	rddreg [dreg:$0x1]  }
0x3: {  	s12 =	simm.s32 $0xA400;
	s13 =	simm.s32 $0xC400;
	s14 =	simm.s32 $0xE400  }
0x4: {  	s15 =	simm.s32 $0x10400;
	s16 =	simm.s32 $0x12400;
	s17 =	simm.s32 $0x14400  }
0x5: {  	s29 =	simm.s32 $0xF;
	s0 =	sand.u32 $0x1, s0;
	s3 =	sshll.u32 s10, $0x1  }
0x6: {  	s31 =	simm.s32 $0x10;
	s23 =	smul.u32 $0x64000, s10;
	s5 =	sor.u32 s0, s3  }
0x7: {  	s3 =	simm.s32 $0x0;
	s6 =	ssub.s32 $0x2, s0;
	s0 =	smul.u32 $0x32000, s0  }
0x8: {  	s4 =	smul.u32 $0xC80, s5;
	[smem:$0x7FF] =	sst s3;
	s9 =	sshrl.u32 s6, $0x1  }
0x9: {  	s7 =	smul.u32 $0x190000, s5;
	_ =	strace $0x80000047;
	s18 =	ssub.s32 s6, s9  }
0xa: {  	s0 =	sadd.s32 s0, s23;
	s8 =	sadd.s32 s4, s1;
	s4 =	sadd.s32 $0xF42E00, s1  }
0xb: {  	s19 =	sshrl.u32 s7, $0x3;
	s1 =	smax.u32 s18, $0x1;
	[dreg:$0xd] =	wrdreg s0  }
0xc: {  	s20 =	sadd.s32 $0xA00, s8;
	s6 =	sadd.s32 s2, s19;
	[dreg:$0xc] =	wrdreg s1  }
0xd: {  	s10 =	simm.s32 $0x8400;
	[dreg:$0x3] =	wrdreg s20;
	s21 =	sadd.s32 $0x30000, s6  }
0xe: {  	s5 =	smul.u32 $0x6400, s5;
	s22 =	sadd.s32 $0x30400, s6;
	[dreg:$0x4] =	wrdreg s21  }
0xf: {  	s9 =	simm.s32 $0x2;
	s24 =	sadd.s32 $0x30800, s6;
	[dreg:$0x5] =	wrdreg s22  }
0x10: {  	s23 =	simm.s32 $0x12;
	s25 =	sadd.s32 $0x30C00, s6;
	[dreg:$0x6] =	wrdreg s24  }
0x11: {  	s0 =	simm.s32 $0x80;
	s26 =	sadd.s32 $0x31000, s6;
	[dreg:$0x7] =	wrdreg s25  }
.Ltmp0:
0x12: {  	s28 =	sadd.s32 $0x31400, s6;
	[dreg:$0x8] =	wrdreg s26;
	(pc) =	sbr.rel .LBB2_1-.Ltmp0, $4  }
0x13: {  	s7 =	simm.s32 $0x1;
	s30 =	sadd.s32 $0x31800, s6;
	[dreg:$0x9] =	wrdreg s28  }
0x14: {  	s19 =	simm.s32 $0x6400;
	s6 =	sadd.s32 $0x31C00, s6;
	[dreg:$0xa] =	wrdreg s30  }
0x15: {  	s8 =	simm.s32 $0x0;
	[dreg:$0xb] =	wrdreg s6;
	s24 =	simm.s32 $0xD  }
0x16: {  	s26 =	simm.s32 $0xE;
	s21 =	simm.s32 $0x11;
	s25 =	simm.s32 $0x13  }
.LBB2_6:
0x17: {  	s1 =	simm.s32 $0x3  }
0x18: {  	_ =	swait.ge [sflag:s1], $0x2000  }
0x19: {  	[sflag:s1] =	ssyncset.done $0x0  }
0x1a: {  	s18 =	simm.s32 $0x4;
	s8 =	rddreg [dreg:$0x4];
	[sflag:s1] =	ssyncadd.s32 $0xFFFFE000  }
0x1b: {  	[hbm4b:s8+s3] =	stream.linear.scatter [tilespmem:s12], [sflag:$0xD], $0x2000, $0x38;
	[tilespmem:$0x1A400] =	vst v63  }
0x1c: {  	_ =	swait.ge [sflag:s18], $0x2000  }
0x1d: {  	[sflag:s18] =	ssyncset.done $0x0  }
0x1e: {  	s22 =	simm.s32 $0x5;
	s20 =	rddreg [dreg:$0x5];
	[sflag:s18] =	ssyncadd.s32 $0xFFFFE000  }
0x1f: {  	[hbm4b:s20+s3] =	stream.linear.scatter [tilespmem:s13], [sflag:$0xE], $0x2000, $0x38;
	[tilespmem:$0x1A400] =	vst v63  }
0x20: {  	_ =	swait.ge [sflag:s22], $0x2000  }
0x21: {  	[sflag:s22] =	ssyncset.done $0x0  }
0x22: {  	s30 =	simm.s32 $0x6;
	s28 =	rddreg [dreg:$0x6];
	[sflag:s22] =	ssyncadd.s32 $0xFFFFE000  }
0x23: {  	[hbm4b:s28+s3] =	stream.linear.scatter [tilespmem:s14], [sflag:$0xF], $0x2000, $0x38;
	[tilespmem:$0x1A400] =	vst v63  }
0x24: {  	_ =	swait.ge [sflag:s30], $0x2000  }
0x25: {  	[sflag:s30] =	ssyncset.done $0x0  }
0x26: {  	s8 =	simm.s32 $0x7;
	s6 =	rddreg [dreg:$0x7];
	[sflag:s30] =	ssyncadd.s32 $0xFFFFE000  }
0x27: {  	[hbm4b:s6+s3] =	stream.linear.scatter [tilespmem:s15], [sflag:$0x10], $0x2000, $0x38;
	[tilespmem:$0x1A400] =	vst v63  }
0x28: {  	_ =	swait.ge [sflag:s8], $0x2000  }
0x29: {  	[sflag:s8] =	ssyncset.done $0x0  }
0x2a: {  	s20 =	simm.s32 $0x8;
	s18 =	rddreg [dreg:$0x8];
	[sflag:s8] =	ssyncadd.s32 $0xFFFFE000  }
0x2b: {  	[hbm4b:s18+s3] =	stream.linear.scatter [tilespmem:s16], [sflag:$0x11], $0x2000, $0x38;
	[tilespmem:$0x1A400] =	vst v63  }
0x2c: {  	_ =	swait.ge [sflag:s20], $0x2000  }
0x2d: {  	[sflag:s20] =	ssyncset.done $0x0  }
0x2e: {  	s28 =	simm.s32 $0x9;
	s22 =	rddreg [dreg:$0x9];
	[sflag:s20] =	ssyncadd.s32 $0xFFFFE000  }
0x2f: {  	[hbm4b:s22+s3] =	stream.linear.scatter [tilespmem:s17], [sflag:$0x12], $0x2000, $0x38;
	[tilespmem:$0x1A400] =	vst v63  }
0x30: {  	_ =	swait.ge [sflag:s28], $0x2000  }
0x31: {  	s6 =	simm.s32 $0x16400;
	[sflag:s28] =	ssyncset.done $0x0  }
0x32: {  	s8 =	simm.s32 $0xA;
	s30 =	rddreg [dreg:$0xa];
	[sflag:s28] =	ssyncadd.s32 $0xFFFFE000  }
0x33: {  	[hbm4b:s30+s3] =	stream.linear.scatter [tilespmem:s6], [sflag:$0x13], $0x2000, $0x38;
	[tilespmem:$0x1A400] =	vst v63  }
0x34: {  	_ =	swait.ge [sflag:s8], $0x2000  }
0x35: {  	[sflag:s8] =	ssyncset.done $0x0  }
0x36: {  	s20 =	simm.s32 $0xB;
	s18 =	rddreg [dreg:$0xb];
	[sflag:s8] =	ssyncadd.s32 $0xFFFFE000  }
0x37: {  	[hbm4b:s18+s3] =	stream.linear.scatter [tilespmem:s11], [sflag:$0x14], $0x2000, $0x38;
	[tilespmem:$0x1A400] =	vst v63  }
0x38: {  	_ =	swait.ge [sflag:s20], $0x2000  }
0x39: {  	[sflag:s20] =	ssyncset.done $0x0  }
0x3a: {  	s22 =	simm.s32 $0xC;
	[sflag:s20] =	ssyncadd.s32 $0xFFFFE000  }
0x3b: {  	_ =	swait.ge [sflag:s22], $0x2000  }
0x3c: {  	[sflag:s22] =	ssyncset.done $0x0  }
0x3d: {  	[sflag:s22] =	ssyncadd.s32 $0xFFFFE000  }
0x3e: {  	_ =	swait.ge [sflag:s24], $0x2000  }
0x3f: {  	[sflag:s24] =	ssyncset.done $0x0  }
0x40: {  	[sflag:s24] =	ssyncadd.s32 $0xFFFFE000  }
0x41: {  	_ =	swait.ge [sflag:s26], $0x2000  }
0x42: {  	[sflag:s26] =	ssyncset.done $0x0  }
0x43: {  	[sflag:s26] =	ssyncadd.s32 $0xFFFFE000  }
0x44: {  	_ =	swait.ge [sflag:s29], $0x2000  }
0x45: {  	[sflag:s29] =	ssyncset.done $0x0  }
0x46: {  	[sflag:s29] =	ssyncadd.s32 $0xFFFFE000  }
0x47: {  	_ =	swait.ge [sflag:s31], $0x2000  }
0x48: {  	[sflag:s31] =	ssyncset.done $0x0  }
0x49: {  	[sflag:s31] =	ssyncadd.s32 $0xFFFFE000  }
0x4a: {  	_ =	swait.ge [sflag:s21], $0x2000  }
0x4b: {  	[sflag:s21] =	ssyncset.done $0x0  }
0x4c: {  	[sflag:s21] =	ssyncadd.s32 $0xFFFFE000  }
0x4d: {  	_ =	swait.ge [sflag:s23], $0x2000  }
0x4e: {  	[sflag:s23] =	ssyncset.done $0x0  }
0x4f: {  	[sflag:s23] =	ssyncadd.s32 $0xFFFFE000  }
0x50: {  	_ =	swait.ge [sflag:s25], $0x2000  }
0x51: {  	[sflag:s25] =	ssyncset.done $0x0  }
0x52: {  	s28 =	simm.s32 $0x14;
	[sflag:s25] =	ssyncadd.s32 $0xFFFFE000  }
0x53: {  	_ =	swait.ge [sflag:s28], $0x2000  }
0x54: {  	s8 =	rddreg [dreg:$0xe]  }
0x55: {  	s30 =	rddreg [dreg:$0xc];
	s8 =	sadd.s32 $0x1, s8  }
0x56: {  	p0 =	sne.s32 s8, s30  }
.Ltmp1:
0x57: {  	_ = 	snop;
	(pc) =	sbr.rel @!p0 .LBB2_7-.Ltmp1, $3  }
0x58: {  	_ =	sdelay $0x1  }
0x59: {  	[sflag:s28] =	ssyncset.done $0x0  }
0x5a: {  	[sflag:s28] =	ssyncadd.s32 $0xFFFFE000  }
.LBB2_1:
0x5b: {  	[dreg:$0xe] =	wrdreg s8  }
.Ltmp2:
0x5c: {  	s1 =	rddreg [dreg:$0x3];
	s30 =	simm.s32 $0x15;
	(pc) =	sbr.rel .LBB2_2-.Ltmp2, $4  }
0x5d: {  	[tilespmem:s3], [sflag:$0x15] =	stream.linear.gather [hbm4b:s1+s3], $0x6400, $0x38;
	[tilespmem:$0x1A400] =	vst v63  }
0x5e: {  	_ =	swait.ge [sflag:s30], $0x6400  }
0x5f: {  	s8 =	simm.s32 $0x80;
	[sflag:s30] =	ssyncset.done $0x0  }
0x60: {  	s1 =	simm.s32 $0x0;
	s28 =	rddreg [dreg:$0xd];
	[sflag:s30] =	ssyncadd.s32 $0xFFFF9C00  }
.LBB2_4:
0x61: {  	s6 =	simm.s32 $0xB  }
0x62: {  	_ =	swait.ge [sflag:s6], $0x2000  }
0x63: {  	[sflag:s6] =	ssyncset.done $0x0  }
0x64: {  	s11 =	simm.s32 $0x3;
	[sflag:s6] =	ssyncadd.s32 $0xFFFFE000;
	s6 =	sshra.s32 s1, $0x2  }
0x65: {  	[tilespmem:s19], [sflag:$0x1] =	stream.indirect.gather [hbm4b:s4+s0], $0x40, s6, s0, $0xb8;
	[tilespmem:$0x1A400] =	vst v63  }
0x66: {  	s18 =	sadd.s32 $0x1FFFE000, s28;
	_ =	swait.ge [sflag:s11], $0x2000  }
0x67: {  	s22 =	simm.s32 $0xA400;
	s18 =	sand.u32 $0x1FFFF800, s18;
	[sflag:s11] =	ssyncset.done $0x0  }
0x68: {  	s12 =	simm.s32 $0xC;
	s18 =	sadd.s32 s2, s18;
	[sflag:s11] =	ssyncadd.s32 $0xFFFFE000  }
0x69: {  	[hbm4b:s18+s3] =	stream.linear.scatter [tilespmem:s22], [sflag:$0xD], $0x2000, $0x38;
	[tilespmem:$0x1A400] =	vst v63  }
0x6a: {  	_ =	swait.ge [sflag:s12], $0x2000  }
0x6b: {  	[sflag:s12] =	ssyncset.done $0x0  }
0x6c: {  	s13 =	simm.s32 $0x4;
	[sflag:s12] =	ssyncadd.s32 $0xFFFFE000;
	s12 =	sadd.s32 $0x80, s6  }
0x6d: {  	[tilespmem:s10], [sflag:$0x2] =	stream.indirect.gather [hbm4b:s4+s0], $0x40, s12, s0, $0xb8;
	[tilespmem:$0x1A400] =	vst v63  }
0x6e: {  	s14 =	sadd.s32 $0x1FFFE400, s28;
	_ =	swait.ge [sflag:s13], $0x2000  }
0x6f: {  	s18 =	sand.u32 $0x1FFFFC00, s14;
	[sflag:s13] =	ssyncset.done $0x0  }
0x70: {  	s15 =	simm.s32 $0xC400;
	s18 =	sadd.s32 s2, s18;
	[sflag:s13] =	ssyncadd.s32 $0xFFFFE000  }
0x71: {  	[hbm4b:s18+s3] =	stream.linear.scatter [tilespmem:s15], [sflag:$0xE], $0x2000, $0x38;
	[tilespmem:$0x1A400] =	vst v63  }
0x72: {  	_ =	swait.ge [sflag:s24], $0x2000  }
0x73: {  	[sflag:s24] =	ssyncset.done $0x0  }
0x74: {  	s17 =	simm.s32 $0x5;
	s16 =	sadd.s32 $0x100, s6;
	[sflag:s24] =	ssyncadd.s32 $0xFFFFE000  }
0x75: {  	[tilespmem:s22], [sflag:$0x3] =	stream.indirect.gather [hbm4b:s4+s0], $0x40, s16, s0, $0xb8;
	[tilespmem:$0x1A400] =	vst v63  }
0x76: {  	s19 =	sadd.s32 $0x1FFFE800, s28;
	_ =	swait.ge [sflag:s17], $0x2000  }
0x77: {  	s18 =	sand.u32 $0x1FFFF800, s19;
	[sflag:s17] =	ssyncset.done $0x0  }
0x78: {  	s20 =	simm.s32 $0xE400;
	s18 =	sadd.s32 s2, s18;
	[sflag:s17] =	ssyncadd.s32 $0xFFFFE000  }
0x79: {  	[hbm4b:s18+s3] =	stream.linear.scatter [tilespmem:s20], [sflag:$0xF], $0x2000, $0x38;
	[tilespmem:$0x1A400] =	vst v63  }
0x7a: {  	_ =	swait.ge [sflag:s26], $0x2000  }
0x7b: {  	[sflag:s26] =	ssyncset.done $0x0  }
0x7c: {  	s14 =	simm.s32 $0x6;
	s22 =	sadd.s32 $0x180, s6;
	[sflag:s26] =	ssyncadd.s32 $0xFFFFE000  }
0x7d: {  	[tilespmem:s15], [sflag:$0x4] =	stream.indirect.gather [hbm4b:s4+s0], $0x40, s22, s0, $0xb8;
	[tilespmem:$0x1A400] =	vst v63  }
0x7e: {  	s15 =	sadd.s32 $0x1FFFEC00, s28;
	_ =	swait.ge [sflag:s14], $0x2000  }
0x7f: {  	s18 =	sand.u32 $0x1FFFFC00, s15;
	[sflag:s14] =	ssyncset.done $0x0  }
0x80: {  	s10 =	simm.s32 $0x10400;
	s18 =	sadd.s32 s2, s18;
	[sflag:s14] =	ssyncadd.s32 $0xFFFFE000  }
0x81: {  	[hbm4b:s18+s3] =	stream.linear.scatter [tilespmem:s10], [sflag:$0x10], $0x2000, $0x38;
	[tilespmem:$0x1A400] =	vst v63  }
0x82: {  	_ =	swait.ge [sflag:s29], $0x2000  }
0x83: {  	[sflag:s29] =	ssyncset.done $0x0  }
0x84: {  	s16 =	sadd.s32 $0x200, s6;
	s17 =	simm.s32 $0x7;
	[sflag:s29] =	ssyncadd.s32 $0xFFFFE000  }
0x85: {  	[tilespmem:s20], [sflag:$0x5] =	stream.indirect.gather [hbm4b:s4+s0], $0x40, s16, s0, $0xb8;
	[tilespmem:$0x1A400] =	vst v63  }
0x86: {  	s19 =	sadd.s32 $0x1FFFF000, s28;
	_ =	swait.ge [sflag:s17], $0x2000  }
0x87: {  	s18 =	sand.u32 $0x1FFFF800, s19;
	[sflag:s17] =	ssyncset.done $0x0  }
0x88: {  	s18 =	sadd.s32 s2, s18;
	s20 =	simm.s32 $0x12400;
	[sflag:s17] =	ssyncadd.s32 $0xFFFFE000  }
0x89: {  	[hbm4b:s18+s3] =	stream.linear.scatter [tilespmem:s20], [sflag:$0x11], $0x2000, $0x38;
	[tilespmem:$0x1A400] =	vst v63  }
0x8a: {  	_ =	swait.ge [sflag:s31], $0x2000  }
0x8b: {  	[sflag:s31] =	ssyncset.done $0x0  }
0x8c: {  	s22 =	sadd.s32 $0x280, s6;
	s16 =	simm.s32 $0x8;
	[sflag:s31] =	ssyncadd.s32 $0xFFFFE000  }
0x8d: {  	[tilespmem:s10], [sflag:$0x6] =	stream.indirect.gather [hbm4b:s4+s0], $0x40, s22, s0, $0xb8;
	[tilespmem:$0x1A400] =	vst v63  }
0x8e: {  	s17 =	sadd.s32 $0x1FFFF400, s28;
	_ =	swait.ge [sflag:s16], $0x2000  }
0x8f: {  	s18 =	sand.u32 $0x1FFFFC00, s17;
	[sflag:s16] =	ssyncset.done $0x0  }
0x90: {  	s18 =	sadd.s32 s2, s18;
	s10 =	simm.s32 $0x14400;
	[sflag:s16] =	ssyncadd.s32 $0xFFFFE000  }
0x91: {  	[hbm4b:s18+s3] =	stream.linear.scatter [tilespmem:s10], [sflag:$0x12], $0x2000, $0x38;
	[tilespmem:$0x1A400] =	vst v63  }
0x92: {  	_ =	swait.ge [sflag:s21], $0x2000  }
0x93: {  	[sflag:s21] =	ssyncset.done $0x0  }
0x94: {  	s19 =	sadd.s32 $0x300, s6;
	[sflag:s21] =	ssyncadd.s32 $0xFFFFE000  }
0x95: {  	[tilespmem:s20], [sflag:$0x7] =	stream.indirect.gather [hbm4b:s4+s0], $0x40, s19, s0, $0xb8;
	[tilespmem:$0x1A400] =	vst v63  }
0x96: {  	s20 =	simm.s32 $0x9  }
0x97: {  	s22 =	sadd.s32 $0x1FFFF800, s28;
	_ =	swait.ge [sflag:s20], $0x2000  }
0x98: {  	s18 =	sand.u32 $0x1FFFF800, s22;
	[sflag:s20] =	ssyncset.done $0x0  }
0x99: {  	s18 =	sadd.s32 s2, s18;
	[sflag:s20] =	ssyncadd.s32 $0xFFFFE000;
	s20 =	simm.s32 $0x16400  }
0x9a: {  	[hbm4b:s18+s3] =	stream.linear.scatter [tilespmem:s20], [sflag:$0x13], $0x2000, $0x38;
	[tilespmem:$0x1A400] =	vst v63  }
0x9b: {  	_ =	swait.ge [sflag:s23], $0x2000  }
0x9c: {  	s30 =	smov.u32 s8;
	s11 =	sadd.s32 $0x380, s6;
	[sflag:s23] =	ssyncset.done $0x0  }
0x9d: {  	s12 =	simm.s32 $0xA400;
	s19 =	simm.s32 $0xA;
	[sflag:s23] =	ssyncadd.s32 $0xFFFFE000  }
0x9e: {  	[tilespmem:s10], [sflag:$0x8] =	stream.indirect.gather [hbm4b:s4+s0], $0x40, s11, s0, $0xb8;
	[tilespmem:$0x1A400] =	vst v63  }
0x9f: {  	s13 =	simm.s32 $0xC400;
	s22 =	sadd.s32 $0x1FFFFC00, s28;
	_ =	swait.ge [sflag:s19], $0x2000  }
0xa0: {  	s15 =	simm.s32 $0x10400;
	s18 =	sand.u32 $0x1FFFFC00, s22;
	[sflag:s19] =	ssyncset.done $0x0  }
0xa1: {  	s22 =	simm.s32 $0x18400;
	s18 =	sadd.s32 s2, s18;
	[sflag:s19] =	ssyncadd.s32 $0xFFFFE000  }
0xa2: {  	[hbm4b:s18+s3] =	stream.linear.scatter [tilespmem:s22], [sflag:$0x14], $0x2000, $0x38;
	[tilespmem:$0x1A400] =	vst v63  }
0xa3: {  	s14 =	simm.s32 $0xE400;
	s17 =	simm.s32 $0x14400;
	_ =	swait.ge [sflag:s25], $0x2000  }
0xa4: {  	s16 =	simm.s32 $0x12400;
	s11 =	simm.s32 $0x8400;
	[sflag:s25] =	ssyncset.done $0x0  }
0xa5: {  	s10 =	simm.s32 $0x6400;
	s18 =	sadd.s32 $0xFFFFFF80, s8;
	[sflag:s25] =	ssyncadd.s32 $0xFFFFE000  }
.LBB2_5:
0xa6: {  	s19 =	sadd.s32 $0x400, s6;
	s18 =	sadd.s32 s5, s18  }
0xa7: {  	[tilespmem:s20], [sflag:$0x9] =	stream.indirect.gather [hbm4b:s4+s0], $0x40, s19, s0, $0xb8;
	[tilespmem:$0x1A400] =	vst v63  }
0xa8: {  	s18 =	sshll.u32 s18, $0x3;
	_ =	swait.ge [sflag:s7], $0x2000  }
0xa9: {  	s18 =	sand.u32 $0x1FFFF800, s18;
	[sflag:s7] =	ssyncset.done $0x0  }
0xaa: {  	p0 =	seq.s32 s1, $0x0;
	s18 =	sadd.s32 s2, s18;
	[sflag:s7] =	ssyncadd.s32 $0xFFFFE000  }
0xab: {  	[hbm4b:s18+s3] =	stream.linear.scatter [tilespmem:s10], [sflag:$0xB], $0x2000, $0x38;
	[tilespmem:$0x1A400] =	vst v63  }
0xac: {  	s18 =	simm.s32 @!p0 $0x14  }
0xad: {  	_ =	swait.ge @!p0 [sflag:s18], $0x2000  }
0xae: {  	s30 =	sadd.s32 s5, s30;
	s1 =	sadd.s32 $0x1400, s1;
	[sflag:s18] =	ssyncset.done @!p0 $0x0  }
0xaf: {  	s20 =	sadd.s32 $0x480, s6;
	[sflag:s18] =	ssyncadd.s32 @!p0 $0xFFFFE000;
	p0 =	sne.s32 s1, $0x19000  }
0xb0: {  	[tilespmem:s22], [sflag:$0xA] =	stream.indirect.gather [hbm4b:s4+s0], $0x40, s20, s0, $0xb8;
	[tilespmem:$0x1A400] =	vst v63  }
.Ltmp3:
0xb1: {  	s6 =	sshll.u32 s30, $0x3;
	_ =	swait.ge [sflag:s9], $0x2000;
	(pc) =	sbr.rel @!p0 .LBB2_6-.Ltmp3, $4  }
0xb2: {  	s8 =	sadd.s32 $0x500, s8;
	s6 =	sand.u32 $0x1FFFFC00, s6;
	[sflag:s9] =	ssyncset.done $0x0  }
0xb3: {  	s28 =	sadd.s32 $0x2800, s28;
	s6 =	sadd.s32 s2, s6;
	[sflag:s9] =	ssyncadd.s32 $0xFFFFE000  }
0xb4: {  	[hbm4b:s6+s3] =	stream.linear.scatter [tilespmem:s11], [sflag:$0xC], $0x2000, $0x38;
	[tilespmem:$0x1A400] =	vst v63  }
0xb5: {  	s19 =	simm.s32 $0x6400;
	s10 =	simm.s32 $0x8400;
	s11 =	simm.s32 $0x18400  }
.LBB2_2:
0xb6: {  	p0 =	sne.s32 s1, $0x0  }
.Ltmp4:
0xb7: {  	_ = 	snop;
	(pc) =	sbr.rel @p0 .LBB2_4-.Ltmp4, $1  }
0xb8: {  	_ =	sdelay $0x3  }
0xb9: {  	s30 =	simm.s32 $0x80;
	s18 =	simm.s32 $0x0  }
0xba: {  	[tilespmem:s19], [sflag:$0x1] =	stream.indirect.gather [hbm4b:s4+s30], $0x40, s18, s30, $0xb8;
	[tilespmem:$0x1A400] =	vst v63  }
0xbb: {  	_ = 	snop  }
0xbc: {  	[tilespmem:s10], [sflag:$0x2] =	stream.indirect.gather [hbm4b:s4+s30], $0x40, s30, s30, $0xb8;
	[tilespmem:$0x1A400] =	vst v63  }
0xbd: {  	s6 =	simm.s32 $0x100  }
0xbe: {  	[tilespmem:s12], [sflag:$0x3] =	stream.indirect.gather [hbm4b:s4+s30], $0x40, s6, s30, $0xb8;
	[tilespmem:$0x1A400] =	vst v63  }
0xbf: {  	s10 =	simm.s32 $0x180  }
0xc0: {  	[tilespmem:s13], [sflag:$0x4] =	stream.indirect.gather [hbm4b:s4+s30], $0x40, s10, s30, $0xb8;
	[tilespmem:$0x1A400] =	vst v63  }
0xc1: {  	s11 =	simm.s32 $0x200  }
0xc2: {  	[tilespmem:s14], [sflag:$0x5] =	stream.indirect.gather [hbm4b:s4+s30], $0x40, s11, s30, $0xb8;
	[tilespmem:$0x1A400] =	vst v63  }
0xc3: {  	s19 =	simm.s32 $0x280  }
0xc4: {  	[tilespmem:s15], [sflag:$0x6] =	stream.indirect.gather [hbm4b:s4+s30], $0x40, s19, s30, $0xb8;
	[tilespmem:$0x1A400] =	vst v63  }
.Ltmp5:
0xc5: {  	s20 =	simm.s32 $0x300;
	(pc) =	sbr.rel .LBB2_5-.Ltmp5, $4  }
0xc6: {  	[tilespmem:s16], [sflag:$0x7] =	stream.indirect.gather [hbm4b:s4+s30], $0x40, s20, s30, $0xb8;
	[tilespmem:$0x1A400] =	vst v63  }
0xc7: {  	s22 =	simm.s32 $0x380;
	s6 =	simm.s32 $0x0;
	s10 =	simm.s32 $0x6400  }
0xc8: {  	[tilespmem:s17], [sflag:$0x8] =	stream.indirect.gather [hbm4b:s4+s30], $0x40, s22, s30, $0xb8;
	[tilespmem:$0x1A400] =	vst v63  }
0xc9: {  	s11 =	simm.s32 $0x8400;
	s20 =	simm.s32 $0x16400;
	s22 =	simm.s32 $0x18400  }
.LBB2_7:
0xca: {  	_ =	sfence.sel $0x180000  }
0xcb: {  	[bflag:$0x0] =	sbarrier.arrive $0xFFFF  }
0xcc: {  	_ =	strace $0x90000047  }
0xcd: {  	s0 =	stileid.u32;
	[bflag:$0x2] =	sbarrier.arrive $0xFFFF  }
0xce: {  	p0 =	sne.s32 s0, $0x0;
	s0 =	rddreg [dreg:$0x2]  }
0xcf: {  	s0 =	sadd.s32 @!p0 $0x100000, s0  }
0xd0: {  	[sflag:s0] =	ssyncadd.tile.s32 @!p0 $0x1;
	_ =	shalt  }
.Lfunc_end2:
_tile_overlayer_lowered:
.L_overlay_start_2:
0xd1: {  	(tag) =	ssettag $0x2  }
0xd2: {  	s0 =	rddreg [dreg:$0x0];
	s2 =	stileid.u32  }
0xd3: {  	s1 =	rddreg [dreg:$0x1];
	p0 =	sne.s32 s2, $0x0  }
0xd4: {  	s3 =	rddreg [dreg:$0x2];
	[bflag:$0x3] =	sbarrier.arrive $0xFFFF;
	s2 =	simm.s32 @!p0 $0x1C15  }
0xd5: {  	[timem:s3], [sflag:s2] =	dma.local @!p0 [hbm:s0], s1  }
0xd6: {  	s0 =	simm.s32 @!p0 $0x15  }
0xd7: {  	_ =	swait.ge @!p0 [sflag:s0], s1  }
0xd8: {  	s1 =	ssub.s32 @!p0 $0x0, s1;
	[sflag:s0] =	ssyncset.done @!p0 $0x0  }
0xd9: {  	[sflag:s0] =	ssyncadd.s32 @!p0 s1  }
0xda: {  	[bflag:$0x3] =	sbarrier.arrive $0xFFFF  }
0xdb: {  	_ =	shalt  }

// kernel: sparse-core-data-format-call.cloned.1.call-start
scs
called_computation_lowered:
.L_overlay_start_0:
0x0: {  	s2 =	sld [smem:$0x3FD9]  }
0x1: {  	s3 =	sld [smem:$0x3FFE];
	_ =	sdelay $0x1  }
0x2: {  	s1 =	srdreg.scid  }
0x3: {  	s0 =	sand.u32 $0x1, s1  }
0x4: {  	s18 =	sshll.u32 s0, $0xA;
	s2 =	sadd.s32 s3, s2  }
0x5: {  	s2 =	sadd.s32 s2, s18  }
0x6: {  	[smem:$0x3FC6] =	sst s2  }
0x7: {  	_ = 	snop  }
0x8: {  	s2 =	sld [smem:$0x3FD0];
	(tm) =	ssettm $0x1  }
0x9: {  	s19 =	sld [smem:$0x3FFB];
	_ =	sdelay $0x3  }
0xa: {  	_ =	strace s19  }
0xb: {  	s3 =	sld [smem:$0x3FFC];
	_ =	sdelay $0x3  }
0xc: {  	_ =	strace s3  }
0xd: {  	s3 =	sld [smem:$0x3FFD];
	_ =	sdelay $0x3  }
0xe: {  	_ =	strace s3  }
0xf: {  	_ =	strace $0x8FFFFFFF  }
0x10: {  	s20 =	sld [smem:$0x3FDB];
	_ =	sdelay $0x1  }
0x11: {  	s4 =	simm.s32 $_scs_section_size  }
0x12: {  	s5 =	simm.s32 $_size__tile_overlayer_lowered;
	s6 =	simm.s32 $_tile_overlayer_lowered  }
0x13: {  	s23 =	simm.s32 $0x1BFF;
	s22 =	sshll.u32 s6, $0x1;
	s3 =	sadd.s32 s4, s20  }
0x14: {  	s7 =	simm.s32 $0x0;
	s21 =	sshll.u32 s5, $0x1;
	s5 =	sadd.s32 s22, s3  }
0x15: {  	[timem:s7], [sflag:s23] =	dma.local [hbm:s5], s21  }
0x16: {  	_ =	swait.ge [sflag:s23], s21  }
0x17: {  	s4 =	ssub.s32 $0x0, s21;
	[sflag:s23] =	ssyncset.done $0x0  }
0x18: {  	[sflag:s23] =	ssyncadd.s32 s4;
	_ =	sdelay $0x1  }
0x19: {  	s24 =	simm.s32 $0x1B8B  }
0x1a: {  	_ =	swait.ge [sflag:s24], $0x1  }
0x1b: {  	[sflag:s24] =	ssyncset.done $0x0  }
0x1c: {  	s26 =	simm.s32 $0x1B8E;
	s25 =	sld [smem:$0x3FFE];
	[sflag:s24] =	ssyncadd.s32 $0xFFFFFFFF  }
0x1d: {  	s27 =	simm.s32 $execute0_lowered;
	[smem:$0x3FD2] =	sst s26  }
0x1e: {  	s5 =	sshll.u32 s27, $0x1;
	_ =	strace $0x80000049;
	[dreg:$0x1] =	wrdreg $0xFFFFFFFF  }
0x1f: {  	s28 =	simm.s32 $_size_execute0_lowered;
	s3 =	sadd.s32 s3, s5;
	[dreg:$0x0] =	wrdreg $0x0  }
0x20: {  	s5 =	sshll.u32 s28, $0x1;
	[dreg:$0x2] =	wrdreg s3  }
0x21: {  	[dreg:$0x3] =	wrdreg s5  }
0x22: {  	[dreg:$0x4] =	wrdreg $0xC0  }
0x23: {  	_ =	task [dreg:s7], $0x5FFFF  }
0x24: {  	[dreg:$0x1] =	wrdreg $0xFFFFFFFF  }
0x25: {  	[dreg:$0x0] =	wrdreg $0x60  }
0x26: {  	[dreg:$0x2] =	wrdreg s25  }
0x27: {  	[dreg:$0x3] =	wrdreg s2  }
0x28: {  	[dreg:$0x4] =	wrdreg $0x9  }
0x29: {  	_ =	task.clear_ibuf [dreg:s7], $0x5FFFF;
	_ =	strace $0x90000049  }
0x2a: {  	s29 =	simm.s32 $0x9;
	_ =	strace $0x8000004B  }
0x2b: {  	_ =	swait.ge [sflag:s29], $0x1  }
0x2c: {  	[sflag:s29] =	ssyncadd.s32 $0xFFFFFFFF  }
0x2d: {  	_ =	strace $0x9000004B  }
0x2e: {  	_ =	sfence  }
0x2f: {  	s30 =	sld [smem:$0x0];
	_ =	sdelay $0x2  }
0x30: {  	s31 =	sshll.u32 s1, $0xD;
	s1 =	sshrl.u32 s1, $0x2  }
0x31: {  	s3 =	sand.u32 $0x4000, s31;
	s1 =	sadd.s32 s1, s30  }
0x32: {  	s0 =	sor.u32 s3, s0;
	s1 =	sshll.u32 s1, $0x11  }
0x33: {  	s0 =	sor.u32 s1, s0  }
0x34: {  	s0 =	sadd.s32 $0x8F2B, s0  }
0x35: {  	[sflag:s0] =	ssyncadd.remote.s32 $0x1  }
0x36: {  	_ =	sfence.sel $0xFFFF  }
0x37: {  	[dreg:$0x0] =	wrdreg $0xFFFFFFFF;
	(pc) =	sbr.abs _section_cstart, $3  }
0x38: {  	[dreg:$0x1] =	wrdreg $0xFFFFFFFF  }
0x39: {  	_ =	task.clear_ibuf [dreg:s7], $0x2FFFF;
	_ =	strace $0x9FFFFFFF  }
0x3a: {  	(tm) =	ssettm $0x7FFFFFFF  }
0x3b: {  	_ =	shalt  }
tec
execute0_lowered:
.L_overlay_start_1:
0x0: {  	(tag) =	ssettag $0x1  }
0x1: {  	s0 =	srdreg.scid  }
0x2: {  	s1 =	sshll.u32 s0, $0x4  }
0x3: {  	s0 =	stileid.u32;
	s1 =	sand.u32 $0x10, s1  }
0x4: {  	s1 =	sor.u32 s0, s1  }
0x5: {  	s6 =	rddreg [dreg:$0x0];
	s4 =	simm.s32 $0x1;
	s2 =	sshll.u32 s1, $0x7  }
0x6: {  	s7 =	simm.s32 $0x2;
	s12 =	simm.s32 $0x0;
	s1 =	ssub.s32 $0x4000, s2  }
0x7: {  	s8 =	simm.s32 $0x20000;
	s13 =	simm.s32 $0x0;
	s3 =	sand.u32 $0xF80, s1  }
0x8: {  	s9 =	simm.s32 $0x0;
	s5 =	sshrl.u32 s1, $0xC;
	p0 =	sne.s32 s3, $0x0  }
.Ltmp0:
0x9: {  	s1 =	rddreg [dreg:$0x2];
	s4 =	simm.s32 @!p0 $0x0;
	(pc) =	sbr.rel .LBB1_1-.Ltmp0, $4  }
0xa: {  	s11 =	simm.s32 $0x0;
	s3 =	rddreg [dreg:$0x1];
	s5 =	sadd.s32 s4, s5  }
0xb: {  	_ =	strace $0x8000004A;
	s4 =	simm.s32 $0x1;
	s5 =	smul.u32 $0x32, s5  }
0xc: {  	s6 =	sadd.s32 $0xA00, s6;
	s10 =	smov.u32 s2;
	[sflag:s4] =	ssyncpa.u1 $0x0  }
0xd: {  	p0 =	por $0x0, $0x0;
	[sflag:s7] =	ssyncpa.u1 $0x0;
	s7 =	sor.u32 $0x1, s5  }
.LBB1_4:
0xe: {  	s16 =	sshll.u32 s13, $0x3;
	s17 =	sand.u32 $0x78, s13  }
0xf: {  	s30 =	sand.u32 $0x1F800, s13;
	s12 =	sshll.u32 s12, $0x11;
	s16 =	sand.u32 $0x3C00, s16  }
0x10: {  	[tilespmem:s15+$0x810 ss:$0x81] =	vst.msk $0xffff, v2;
	s31 =	sand.u32 $0x7, s13;
	s16 =	sor.u32 s17, s16;
	s17 =	sadd.s32 s3, s30  }
0x11: {  	[tilespmem:s15+$0x1020 ss:$0x81] =	vst.msk $0xffff, v0;
	s13 =	sshll.u32 s31, $0x12;
	s12 =	sadd.s32 s12, s17;
	s16 =	sshrl.u32 s16, $0x3  }
0x12: {  	[tilespmem:s15+$0x0 ss:$0x81] =	vst.msk $0xffff, v1;
	s13 =	sor.u32 $0x400, s13;
	s12 =	sadd.s32 s16, s12  }
0x13: {  	[hbm4b:s12+s13] =	stream.strided.scatter [tilespmem:s14], [sflag:$0x2], $0x2000, s8, s13, $0x20;
	[tilespmem:$0x8080] =	vst v63  }
.LBB1_5:
0x14: {  	s14 =	sadd.s32 $0x1, s9  }
0x15: {  	s12 =	sadd.s32 $0x1000, s10;
	s16 =	smov.u32 s10;
	p2 =	sgt.s32 s14, $0x31  }
0x16: {  	s16 =	smov.u32 @p2 s12  }
0x17: {  	s14 =	simm.s32 @p2 $0x0;
	p2 =	sgt.s32 s16, $0x3FFF  }
0x18: {  	s16 =	smov.u32 @p2 s2;
	p2 =	sne.s32 s11, s7  }
.Ltmp1:
0x19: {  	p1 =	slt.u32 s11, $0x2;
	(pc) =	sbr.rel @!p2 .LBB1_6-.Ltmp1, $4  }
0x1a: {  	s15 =	simm.s32 @!p1 $0x2  }
0x1b: {  	s13 =	smov.u32 s10;
	p0 =	por !p0, !p0;
	_ =	swait.ge @!p1 [sflag:s15], $0x2000  }
0x1c: {  	s12 =	smov.u32 s9;
	[sflag:s15] =	ssyncset.done @!p1 $0x0;
	s9 =	smov.u32 s14  }
0x1d: {  	s11 =	sadd.s32 $0x1, s11;
	[sflag:s15] =	ssyncadd.s32 @!p1 $0xFFFFE000;
	s10 =	smov.u32 s16  }
.LBB1_1:
0x1e: {  	p1 =	sge.u32 s11, s5  }
0x1f: {  	s14 =	sand.u32 @!p1 $0x1FFFFFF, s9  }
0x20: {  	s15 =	smulhi.u32 @!p1 $0x4924925, s14;
	_ =	sdelay $0x1  }
0x21: {  	s15 =	smul.u32 @!p1 $0x38, s15  }
0x22: {  	s16 =	sxor.u32 @!p1 $0xFFFFFFFF, s11;
	s17 =	smul.u32 @!p1 $0x380, s10  }
0x23: {  	s31 =	sadd.s32 $0xFFFFFFFF, s11;
	s16 =	sshll.u32 @!p1 s16, $0xD;
	s14 =	ssub.s32 @!p1 s14, s15  }
0x24: {  	s15 =	sand.u32 @!p1 $0x2000, s16;
	s16 =	sadd.s32 @!p1 s6, s17;
	s14 =	sshll.u32 @!p1 s14, $0x4  }
0x25: {  	s17 =	simm.s32 @!p1 $0x1C00;
	s14 =	sadd.s32 @!p1 s14, s16;
	s16 =	simm.s32 @!p1 $0x40  }
0x26: {  	[tilespmem:s15], [sflag:$0x1] =	stream.strided.gather @!p1 [hbm4b:s14+s16], $0x2000, s17, s16, $0x38;
	[tilespmem:$0x8080] =	vst v63  }
0x27: {  	p1 =	sge.u32 s31, s5  }
.Ltmp2:
0x28: {  	_ = 	snop;
	(pc) =	sbr.rel @p1 .LBB1_5-.Ltmp2, $1  }
0x29: {  	_ =	sdelay $0x3  }
0x2a: {  	s14 =	simm.s32 $0x1  }
0x2b: {  	_ =	swait.ge [sflag:s4], $0x2000;
	s14 =	simm.s32 @!p0 $0x0  }
0x2c: {  	[sflag:s4] =	ssyncset.done $0x0;
	s15 =	sshll.u32 s14, $0xD  }
0x2d: {  	[sflag:s4] =	ssyncadd.s32 $0xFFFFE000;
	s18 =	sor.u32 $0x20, s15  }
0x2e: {  	s14 =	smul.u32 $0x8100, s14;
	v3 =	vld [tilespmem:s18+$0x10]  }
0x2f: {  	s30 =	sand.u32 $0x1, s11;
	v2 =	vld [tilespmem:s18+$0xFFFFFFF0]  }
0x30: {  	s15 =	smul.u32 $0x8100, s30;
	s14 =	sshrl.u32 s14, $0x2;
	v0 =	vld [tilespmem:s18+$0x0]  }
0x31: {  	v1 =	vld [tilespmem:s18+$0xFFFFFFE0];
	s16 =	sor.u32 $0x4000, s14  }
0x32: {  	s31 =	sshrl.u32 s15, $0x2;
	s15 =	sadd.s32 $0x0, s16  }
0x33: {  	s17 =	simm.s32 $0x4;
	s18 =	sadd.s32 $0x40, s18;
	s14 =	sor.u32 $0x4000, s31;
	[tilespmem:s15+$0x1830 ss:$0x81] =	vst.msk $0xffff, v3  }
.LBB1_3:
0x34: {  	v3 =	vld [tilespmem:s18+$0x10];
	p1 =	sne.s32 s17, $0x1FC;
	[tilespmem:s15+$0x810 ss:$0x81] =	vst.msk $0xffff, v2;
	s19 =	smov.u32 s17;
	s17 =	sadd.s32 $0x4, s17  }
.Ltmp3:
0x35: {  	v2 =	vld [tilespmem:s18+$0xFFFFFFF0];
	[tilespmem:s15+$0x1020 ss:$0x81] =	vst.msk $0xffff, v0;
	(pc) =	sbr.rel @p1 .LBB1_3-.Ltmp3, $4  }
0x36: {  	v0 =	vld [tilespmem:s18+$0x0];
	[tilespmem:s15+$0x0 ss:$0x81] =	vst.msk $0xffff, v1  }
0x37: {  	s15 =	sshra.s32 s19, $0x2;
	v1 =	vld [tilespmem:s18+$0xFFFFFFE0]  }
0x38: {  	s15 =	sadd.s32 s15, s16  }
0x39: {  	s18 =	sadd.s32 $0x40, s18;
	[tilespmem:s15+$0x1830 ss:$0x81] =	vst.msk $0xffff, v3  }
.Ltmp4:
0x3a: {  	_ = 	snop;
	(pc) =	sbr.rel .LBB1_4-.Ltmp4, $1  }
0x3b: {  	_ =	sdelay $0x3  }
.LBB1_6:
0x3c: {  	_ =	sfence.sel $0x180000  }
0x3d: {  	s2 =	simm.s32 $0x1;
	[bflag:$0x0] =	sbarrier.arrive $0xFFFF  }
0x3e: {  	s31 =	simm.s32 $0x2;
	[sflag:s2] =	ssyncpa.u1 $0x1  }
0x3f: {  	[sflag:s31] =	ssyncpa.u1 $0x1  }
0x40: {  	p0 =	sne.s32 s0, $0x0;
	_ =	strace $0x9000004A  }
0x41: {  	s0 =	sadd.s32 @!p0 $0x100000, s1;
	[bflag:$0x2] =	sbarrier.arrive $0xFFFF  }
0x42: {  	[sflag:s0] =	ssyncadd.tile.s32 @!p0 $0x1;
	_ =	shalt  }
.Lfunc_end1:
_tile_overlayer_lowered:
.L_overlay_start_2:
0x43: {  	(tag) =	ssettag $0x2  }
0x44: {  	s0 =	rddreg [dreg:$0x0];
	s2 =	stileid.u32  }
0x45: {  	s1 =	rddreg [dreg:$0x1];
	p0 =	sne.s32 s2, $0x0  }
0x46: {  	s3 =	rddreg [dreg:$0x2];
	[bflag:$0x3] =	sbarrier.arrive $0xFFFF;
	s2 =	simm.s32 @!p0 $0x1C01  }
0x47: {  	[timem:s3], [sflag:s2] =	dma.local @!p0 [hbm:s0], s1  }
0x48: {  	s0 =	simm.s32 @!p0 $0x1  }
0x49: {  	_ =	swait.ge @!p0 [sflag:s0], s1  }
0x4a: {  	s1 =	ssub.s32 @!p0 $0x0, s1;
	[sflag:s0] =	ssyncset.done @!p0 $0x0  }
0x4b: {  	[sflag:s0] =	ssyncadd.s32 @!p0 s1  }
0x4c: {  	[bflag:$0x3] =	sbarrier.arrive $0xFFFF  }
0x4d: {  	_ =	shalt  }

</sc_bundles>
